<compile_context>
chip_gen: v7x
topology: tpu7x:2x2x1
jax: 0.10.2.dev20260603
libtpu: 0.0.44.dev20260713+nightly
codegen_flags: <defaults>
</compile_context>

<pallas_src>
import functools

import jax
import jax.numpy as jnp
from jax import lax
from jax.experimental import pallas as pl
from jax.experimental.pallas import tpu as pltpu
from jax.experimental.pallas import tpu_sc as plsc

VOCAB = 100
HIDDEN = 128
BATCH = 4096
HIST = 50

_NC, _NS = 2, 16
_NW = _NC * _NS
_COLS_PW = BATCH // _NW
_TG = 1
_NGROUP = HIST // _TG
_RING = 6


def _make_gather():
    mesh = plsc.VectorSubcoreMesh(core_axis_name="c", subcore_axis_name="s")

    @functools.partial(
        pl.kernel,
        out_type=jax.ShapeDtypeStruct((HIST, BATCH, HIDDEN), jnp.float32),
        mesh=mesh,
        scratch_types=[
            pltpu.VMEM_SHARED((VOCAB, HIDDEN), jnp.float32),
            pltpu.VMEM((HIST, _COLS_PW), jnp.int32),
            *([pltpu.VMEM((_TG, _COLS_PW, HIDDEN), jnp.float32)] * _RING),
            *([pltpu.SemaphoreType.DMA] * (2 * _RING)),
        ],
    )
    def gather_kernel(idx_hbm, table_hbm, out_hbm, table_sh, idx_v, *rest):
        bufs = rest[:_RING]
        gsems = rest[_RING:2 * _RING]
        ssems = rest[2 * _RING:]
        sid = lax.axis_index("s")
        wid = sid * _NC + lax.axis_index("c")
        base = wid * _COLS_PW

        @pl.when(sid == 0)
        def _():
            pltpu.sync_copy(table_hbm, table_sh)

        pltpu.sync_copy(idx_hbm.at[:, pl.ds(base, _COLS_PW)], idx_v)
        plsc.subcore_barrier()

        def start_gathers(g, buf, sem, n=_TG):
            for b in range(n):
                pltpu.async_copy(
                    table_sh.at[idx_v.at[g * _TG + b]], buf.at[b], sem
                )

        def wait_gathers(g, buf, sem, n=_TG):
            for b in range(n):
                pltpu.make_async_copy(
                    table_sh.at[idx_v.at[g * _TG + b]], buf.at[b], sem
                ).wait()

        def start_store(g, buf, sem, n=_TG):
            pltpu.async_copy(
                buf.at[pl.ds(0, n)],
                out_hbm.at[pl.ds(g * _TG, n), pl.ds(base, _COLS_PW)],
                sem,
            )

        def wait_store(buf, sem, n=_TG):
            pltpu.make_async_copy(
                buf.at[pl.ds(0, n)],
                out_hbm.at[pl.ds(0, n), pl.ds(base, _COLS_PW)], sem
            ).wait()

        rings = tuple(zip(bufs, gsems, ssems))

        for k, (buf, gs, _) in enumerate(rings):
            start_gathers(k, buf, gs)

        def group_round(i):
            g = _RING * i
            for k, (buf, gs, ss) in enumerate(rings):
                wait_gathers(g + k, buf, gs)
                start_store(g + k, buf, ss)
            for k, (buf, gs, ss) in enumerate(rings):
                wait_store(buf, ss)
                start_gathers(g + _RING + k, buf, gs)

        _NFULL = (_NGROUP - _RING) // _RING
        pl.loop(0, _NFULL)(group_round)

        g0 = _NFULL * _RING
        for k, (buf, gs, ss) in enumerate(rings):
            wait_gathers(g0 + k, buf, gs)
            start_store(g0 + k, buf, ss)
        ntail = _NGROUP - (g0 + _RING)
        for k in range(ntail):
            buf, gs, ss = rings[k]
            wait_store(buf, ss)
            start_gathers(g0 + _RING + k, buf, gs)
        for k in range(ntail):
            buf, gs, ss = rings[k]
            wait_gathers(g0 + _RING + k, buf, gs)
            start_store(g0 + _RING + k, buf, ss)
        for buf, gs, ss in rings:
            wait_store(buf, ss)

    return gather_kernel


_gather = _make_gather()


def kernel(input_ids, word_embeddings):
    ids_t = input_ids.astype(jnp.int32).T
    out = _gather(ids_t, word_embeddings)
    return jnp.transpose(out, (1, 0, 2))

# --- scband reference (transcript-rebuilt; emitter-appended) ---
"""Pipeline reference for scband-mock-model-4913442586703 (READ-ONLY COPY).

The authoritative reference and input builder live on the scoring server;
editing this copy changes nothing except your own understanding.
"""

import jax, jax.numpy as jnp
import numpy as np

VOCAB = 100
HIDDEN = 128
BATCH = 4096
HIST = 50

def setup_inputs(seed: int = 0) -> dict:
    key = jax.random.key(seed)
    k_idx, k_tab = jax.random.split(key)
    input_ids = jax.random.randint(k_idx, (BATCH, HIST), 0, VOCAB, dtype=jnp.int64)
    word_embeddings = jax.random.normal(k_tab, (VOCAB, HIDDEN), dtype=jnp.float32)
    return {"input_ids": input_ids, "word_embeddings": word_embeddings}

def reference(input_ids, word_embeddings):
    # nn.Embedding forward: table gather
    return jnp.take(word_embeddings, input_ids, axis=0)

if __name__ == "__main__":
    import jax
    _d = setup_inputs()
    print(jax.jit(kernel)(*tuple(_d.values())))

</pallas_src>

<mosaic_0001>
#map = affine_map<(d0, d1) -> (0, 0)>
#map1 = affine_map<(d0, d1) -> (0, 0, 0)>
module attributes {stable_mosaic.version = 14 : i64} {
  func.func @gather_kernel(%arg0: i32, %arg1: i32, %arg2: memref<50x4096xi32, #tpu.memory_space<hbm>>, %arg3: memref<100x128xf32, #tpu.memory_space<hbm>>, %arg4: memref<50x4096x128xf32, #tpu.memory_space<hbm>>, %arg5: memref<100x128xf32, #tpu.memory_space<vmem_shared>>, %arg6: memref<50x128xi32, #tpu.memory_space<vmem>>, %arg7: memref<1x128x128xf32, #tpu.memory_space<vmem>>, %arg8: memref<1x128x128xf32, #tpu.memory_space<vmem>>, %arg9: memref<1x128x128xf32, #tpu.memory_space<vmem>>, %arg10: memref<1x128x128xf32, #tpu.memory_space<vmem>>, %arg11: memref<1x128x128xf32, #tpu.memory_space<vmem>>, %arg12: memref<1x128x128xf32, #tpu.memory_space<vmem>>, %arg13: memref<!tpu.dma_semaphore, #tpu.memory_space<semaphore_mem>>, %arg14: memref<!tpu.dma_semaphore, #tpu.memory_space<semaphore_mem>>, %arg15: memref<!tpu.dma_semaphore, #tpu.memory_space<semaphore_mem>>, %arg16: memref<!tpu.dma_semaphore, #tpu.memory_space<semaphore_mem>>, %arg17: memref<!tpu.dma_semaphore, #tpu.memory_space<semaphore_mem>>, %arg18: memref<!tpu.dma_semaphore, #tpu.memory_space<semaphore_mem>>, %arg19: memref<!tpu.dma_semaphore, #tpu.memory_space<semaphore_mem>>, %arg20: memref<!tpu.dma_semaphore, #tpu.memory_space<semaphore_mem>>, %arg21: memref<!tpu.dma_semaphore, #tpu.memory_space<semaphore_mem>>, %arg22: memref<!tpu.dma_semaphore, #tpu.memory_space<semaphore_mem>>, %arg23: memref<!tpu.dma_semaphore, #tpu.memory_space<semaphore_mem>>, %arg24: memref<!tpu.dma_semaphore, #tpu.memory_space<semaphore_mem>>) attributes {dimension_semantics = [#tpu.dimension_semantics<core_parallel>, #tpu.dimension_semantics<subcore_parallel>], iteration_bounds = array<i64: 2, 16>, scalar_prefetch = 0 : i64, scratch_operands = 20 : i64, tpu.core_type = #tpu.core_type<sc_vector_subcore>, window_params = [{transform_indices = #map}, {transform_indices = #map}, {transform_indices = #map1}]} {
    %mul3A = arith.constant 2 : i32
    %mul3A_0 = arith.muli %arg1, %mul3A : i32
    %add3A = arith.addi %mul3A_0, %arg0 : i32
    %mul3A_1 = arith.constant 128 : i32
    %mul3A_2 = arith.muli %add3A, %mul3A_1 : i32
    %eq3A = arith.constant 0 : i32
    %eq3A_3 = arith.cmpi eq, %arg1, %eq3A : i32
    %convert_element_type3A = arith.extui %eq3A_3 : i1 to i32
    %cond3A = arith.constant 0 : i32
    %cond3A_4 = arith.cmpi ne, %convert_element_type3A, %cond3A : i32
    scf.if %cond3A_4 {
      "tpu.region"() ({
        %run_scoped3A = tpu.sem_alloc : memref<!tpu.dma_semaphore, #tpu.memory_space<semaphore_mem>>
        tpu.enqueue_dma source(%arg3 : memref<100x128xf32, #tpu.memory_space<hbm>>) target(%arg5 : memref<100x128xf32, #tpu.memory_space<vmem_shared>>) target_semaphore(%run_scoped3A : memref<!tpu.dma_semaphore, #tpu.memory_space<semaphore_mem>>)
        tpu.wait_dma2 semaphore(%run_scoped3A : memref<!tpu.dma_semaphore, #tpu.memory_space<semaphore_mem>>) src(%arg3 : memref<100x128xf32, #tpu.memory_space<hbm>>) dst(%arg5 : memref<100x128xf32, #tpu.memory_space<vmem_shared>>)
        tpu.yield
      }) : () -> ()
    } else {
    }
    "tpu.region"() ({
      %run_scoped3A = tpu.sem_alloc : memref<!tpu.dma_semaphore, #tpu.memory_space<semaphore_mem>>
      %dma_start3A_423 = arith.constant 0 : i32
      %dma_start3A_424 = tpu.memref_slice %arg2[%dma_start3A_423, %mul3A_2] : memref<50x4096xi32, #tpu.memory_space<hbm>> -> memref<50x128xi32, #tpu.memory_space<hbm>>
      %dma_start3A_425 = arith.constant 0 : i32
      %dma_start3A_426 = tpu.memref_slice %arg2[%dma_start3A_425, %mul3A_2] : memref<50x4096xi32, #tpu.memory_space<hbm>> -> memref<50x128xi32, #tpu.memory_space<hbm>>
      tpu.enqueue_dma source(%dma_start3A_426 : memref<50x128xi32, #tpu.memory_space<hbm>>) target(%arg6 : memref<50x128xi32, #tpu.memory_space<vmem>>) target_semaphore(%run_scoped3A : memref<!tpu.dma_semaphore, #tpu.memory_space<semaphore_mem>>)
      %dma_wait3A_427 = arith.constant 0 : i32
      %dma_wait3A_428 = tpu.memref_slice %arg2[%dma_wait3A_427, %mul3A_2] : memref<50x4096xi32, #tpu.memory_space<hbm>> -> memref<50x128xi32, #tpu.memory_space<hbm>>
      %dma_wait3A_429 = arith.constant 0 : i32
      %dma_wait3A_430 = tpu.memref_slice %arg2[%dma_wait3A_429, %mul3A_2] : memref<50x4096xi32, #tpu.memory_space<hbm>> -> memref<50x128xi32, #tpu.memory_space<hbm>>
      tpu.wait_dma2 semaphore(%run_scoped3A : memref<!tpu.dma_semaphore, #tpu.memory_space<semaphore_mem>>) src(%dma_wait3A_430 : memref<50x128xi32, #tpu.memory_space<hbm>>) dst(%arg6 : memref<50x128xi32, #tpu.memory_space<vmem>>)
      tpu.yield
    }) : () -> ()
    %barrier3A = arith.constant 0 : index
    tpu.barrier barrier_id(%barrier3A)
    %dma_start3A = arith.constant 0 : i32
    %dma_start3A_5 = arith.constant 0 : i32
    %dma_start3A_6 = arith.constant 0 : i32
    %dma_start3A_7 = arith.constant 0 : i32
    %dma_start3A_8 = tpu.memref_slice %arg7[%dma_start3A_5, %dma_start3A_6, %dma_start3A_7] : memref<1x128x128xf32, #tpu.memory_space<vmem>> -> memref<1x128x128xf32, #tpu.memory_space<vmem>>
    %dma_start3A_9 = tpu.memref_squeeze %dma_start3A_8 : memref<1x128x128xf32, #tpu.memory_space<vmem>> -> memref<128x128xf32, #tpu.memory_space<vmem>>
    %dma_start3A_10 = arith.constant 0 : i32
    %dma_start3A_11 = tpu.memref_slice %arg6[%dma_start3A, %dma_start3A_10] : memref<50x128xi32, #tpu.memory_space<vmem>> -> memref<1x128xi32, #tpu.memory_space<vmem>>
    %dma_start3A_12 = tpu.memref_squeeze %dma_start3A_11 : memref<1x128xi32, #tpu.memory_space<vmem>> -> memref<128xi32, #tpu.memory_space<vmem>>
    %dma_start3A_13 = arith.constant 0 : i32
    %dma_start3A_14 = arith.constant 0 : i32
    %dma_start3A_15 = tpu.memref_slice %arg5[%dma_start3A_13, %dma_start3A_14] : memref<100x128xf32, #tpu.memory_space<vmem_shared>> -> memref<100x128xf32, #tpu.memory_space<vmem_shared>>
    tpu.enqueue_indirect_dma source(%dma_start3A_15 : memref<100x128xf32, #tpu.memory_space<vmem_shared>>) target(%dma_start3A_9 : memref<128x128xf32, #tpu.memory_space<vmem>>) offsets(%dma_start3A_12 : memref<128xi32, #tpu.memory_space<vmem>>) semaphore(%arg13 : memref<!tpu.dma_semaphore, #tpu.memory_space<semaphore_mem>>)
    %dma_start3A_16 = arith.constant 1 : i32
    %dma_start3A_17 = arith.constant 0 : i32
    %dma_start3A_18 = arith.constant 0 : i32
    %dma_start3A_19 = arith.constant 0 : i32
    %dma_start3A_20 = tpu.memref_slice %arg8[%dma_start3A_17, %dma_start3A_18, %dma_start3A_19] : memref<1x128x128xf32, #tpu.memory_space<vmem>> -> memref<1x128x128xf32, #tpu.memory_space<vmem>>
    %dma_start3A_21 = tpu.memref_squeeze %dma_start3A_20 : memref<1x128x128xf32, #tpu.memory_space<vmem>> -> memref<128x128xf32, #tpu.memory_space<vmem>>
    %dma_start3A_22 = arith.constant 0 : i32
    %dma_start3A_23 = tpu.memref_slice %arg6[%dma_start3A_16, %dma_start3A_22] : memref<50x128xi32, #tpu.memory_space<vmem>> -> memref<1x128xi32, #tpu.memory_space<vmem>>
    %dma_start3A_24 = tpu.memref_squeeze %dma_start3A_23 : memref<1x128xi32, #tpu.memory_space<vmem>> -> memref<128xi32, #tpu.memory_space<vmem>>
    %dma_start3A_25 = arith.constant 0 : i32
    %dma_start3A_26 = arith.constant 0 : i32
    %dma_start3A_27 = tpu.memref_slice %arg5[%dma_start3A_25, %dma_start3A_26] : memref<100x128xf32, #tpu.memory_space<vmem_shared>> -> memref<100x128xf32, #tpu.memory_space<vmem_shared>>
    tpu.enqueue_indirect_dma source(%dma_start3A_27 : memref<100x128xf32, #tpu.memory_space<vmem_shared>>) target(%dma_start3A_21 : memref<128x128xf32, #tpu.memory_space<vmem>>) offsets(%dma_start3A_24 : memref<128xi32, #tpu.memory_space<vmem>>) semaphore(%arg14 : memref<!tpu.dma_semaphore, #tpu.memory_space<semaphore_mem>>)
    %dma_start3A_28 = arith.constant 2 : i32
    %dma_start3A_29 = arith.constant 0 : i32
    %dma_start3A_30 = arith.constant 0 : i32
    %dma_start3A_31 = arith.constant 0 : i32
    %dma_start3A_32 = tpu.memref_slice %arg9[%dma_start3A_29, %dma_start3A_30, %dma_start3A_31] : memref<1x128x128xf32, #tpu.memory_space<vmem>> -> memref<1x128x128xf32, #tpu.memory_space<vmem>>
    %dma_start3A_33 = tpu.memref_squeeze %dma_start3A_32 : memref<1x128x128xf32, #tpu.memory_space<vmem>> -> memref<128x128xf32, #tpu.memory_space<vmem>>
    %dma_start3A_34 = arith.constant 0 : i32
    %dma_start3A_35 = tpu.memref_slice %arg6[%dma_start3A_28, %dma_start3A_34] : memref<50x128xi32, #tpu.memory_space<vmem>> -> memref<1x128xi32, #tpu.memory_space<vmem>>
    %dma_start3A_36 = tpu.memref_squeeze %dma_start3A_35 : memref<1x128xi32, #tpu.memory_space<vmem>> -> memref<128xi32, #tpu.memory_space<vmem>>
    %dma_start3A_37 = arith.constant 0 : i32
    %dma_start3A_38 = arith.constant 0 : i32
    %dma_start3A_39 = tpu.memref_slice %arg5[%dma_start3A_37, %dma_start3A_38] : memref<100x128xf32, #tpu.memory_space<vmem_shared>> -> memref<100x128xf32, #tpu.memory_space<vmem_shared>>
    tpu.enqueue_indirect_dma source(%dma_start3A_39 : memref<100x128xf32, #tpu.memory_space<vmem_shared>>) target(%dma_start3A_33 : memref<128x128xf32, #tpu.memory_space<vmem>>) offsets(%dma_start3A_36 : memref<128xi32, #tpu.memory_space<vmem>>) semaphore(%arg15 : memref<!tpu.dma_semaphore, #tpu.memory_space<semaphore_mem>>)
    %dma_start3A_40 = arith.constant 3 : i32
    %dma_start3A_41 = arith.constant 0 : i32
    %dma_start3A_42 = arith.constant 0 : i32
    %dma_start3A_43 = arith.constant 0 : i32
    %dma_start3A_44 = tpu.memref_slice %arg10[%dma_start3A_41, %dma_start3A_42, %dma_start3A_43] : memref<1x128x128xf32, #tpu.memory_space<vmem>> -> memref<1x128x128xf32, #tpu.memory_space<vmem>>
    %dma_start3A_45 = tpu.memref_squeeze %dma_start3A_44 : memref<1x128x128xf32, #tpu.memory_space<vmem>> -> memref<128x128xf32, #tpu.memory_space<vmem>>
    %dma_start3A_46 = arith.constant 0 : i32
    %dma_start3A_47 = tpu.memref_slice %arg6[%dma_start3A_40, %dma_start3A_46] : memref<50x128xi32, #tpu.memory_space<vmem>> -> memref<1x128xi32, #tpu.memory_space<vmem>>
    %dma_start3A_48 = tpu.memref_squeeze %dma_start3A_47 : memref<1x128xi32, #tpu.memory_space<vmem>> -> memref<128xi32, #tpu.memory_space<vmem>>
    %dma_start3A_49 = arith.constant 0 : i32
    %dma_start3A_50 = arith.constant 0 : i32
    %dma_start3A_51 = tpu.memref_slice %arg5[%dma_start3A_49, %dma_start3A_50] : memref<100x128xf32, #tpu.memory_space<vmem_shared>> -> memref<100x128xf32, #tpu.memory_space<vmem_shared>>
    tpu.enqueue_indirect_dma source(%dma_start3A_51 : memref<100x128xf32, #tpu.memory_space<vmem_shared>>) target(%dma_start3A_45 : memref<128x128xf32, #tpu.memory_space<vmem>>) offsets(%dma_start3A_48 : memref<128xi32, #tpu.memory_space<vmem>>) semaphore(%arg16 : memref<!tpu.dma_semaphore, #tpu.memory_space<semaphore_mem>>)
    %dma_start3A_52 = arith.constant 4 : i32
    %dma_start3A_53 = arith.constant 0 : i32
    %dma_start3A_54 = arith.constant 0 : i32
    %dma_start3A_55 = arith.constant 0 : i32
    %dma_start3A_56 = tpu.memref_slice %arg11[%dma_start3A_53, %dma_start3A_54, %dma_start3A_55] : memref<1x128x128xf32, #tpu.memory_space<vmem>> -> memref<1x128x128xf32, #tpu.memory_space<vmem>>
    %dma_start3A_57 = tpu.memref_squeeze %dma_start3A_56 : memref<1x128x128xf32, #tpu.memory_space<vmem>> -> memref<128x128xf32, #tpu.memory_space<vmem>>
    %dma_start3A_58 = arith.constant 0 : i32
    %dma_start3A_59 = tpu.memref_slice %arg6[%dma_start3A_52, %dma_start3A_58] : memref<50x128xi32, #tpu.memory_space<vmem>> -> memref<1x128xi32, #tpu.memory_space<vmem>>
    %dma_start3A_60 = tpu.memref_squeeze %dma_start3A_59 : memref<1x128xi32, #tpu.memory_space<vmem>> -> memref<128xi32, #tpu.memory_space<vmem>>
    %dma_start3A_61 = arith.constant 0 : i32
    %dma_start3A_62 = arith.constant 0 : i32
    %dma_start3A_63 = tpu.memref_slice %arg5[%dma_start3A_61, %dma_start3A_62] : memref<100x128xf32, #tpu.memory_space<vmem_shared>> -> memref<100x128xf32, #tpu.memory_space<vmem_shared>>
    tpu.enqueue_indirect_dma source(%dma_start3A_63 : memref<100x128xf32, #tpu.memory_space<vmem_shared>>) target(%dma_start3A_57 : memref<128x128xf32, #tpu.memory_space<vmem>>) offsets(%dma_start3A_60 : memref<128xi32, #tpu.memory_space<vmem>>) semaphore(%arg17 : memref<!tpu.dma_semaphore, #tpu.memory_space<semaphore_mem>>)
    %dma_start3A_64 = arith.constant 5 : i32
    %dma_start3A_65 = arith.constant 0 : i32
    %dma_start3A_66 = arith.constant 0 : i32
    %dma_start3A_67 = arith.constant 0 : i32
    %dma_start3A_68 = tpu.memref_slice %arg12[%dma_start3A_65, %dma_start3A_66, %dma_start3A_67] : memref<1x128x128xf32, #tpu.memory_space<vmem>> -> memref<1x128x128xf32, #tpu.memory_space<vmem>>
    %dma_start3A_69 = tpu.memref_squeeze %dma_start3A_68 : memref<1x128x128xf32, #tpu.memory_space<vmem>> -> memref<128x128xf32, #tpu.memory_space<vmem>>
    %dma_start3A_70 = arith.constant 0 : i32
    %dma_start3A_71 = tpu.memref_slice %arg6[%dma_start3A_64, %dma_start3A_70] : memref<50x128xi32, #tpu.memory_space<vmem>> -> memref<1x128xi32, #tpu.memory_space<vmem>>
    %dma_start3A_72 = tpu.memref_squeeze %dma_start3A_71 : memref<1x128xi32, #tpu.memory_space<vmem>> -> memref<128xi32, #tpu.memory_space<vmem>>
    %dma_start3A_73 = arith.constant 0 : i32
    %dma_start3A_74 = arith.constant 0 : i32
    %dma_start3A_75 = tpu.memref_slice %arg5[%dma_start3A_73, %dma_start3A_74] : memref<100x128xf32, #tpu.memory_space<vmem_shared>> -> memref<100x128xf32, #tpu.memory_space<vmem_shared>>
    tpu.enqueue_indirect_dma source(%dma_start3A_75 : memref<100x128xf32, #tpu.memory_space<vmem_shared>>) target(%dma_start3A_69 : memref<128x128xf32, #tpu.memory_space<vmem>>) offsets(%dma_start3A_72 : memref<128xi32, #tpu.memory_space<vmem>>) semaphore(%arg18 : memref<!tpu.dma_semaphore, #tpu.memory_space<semaphore_mem>>)
    %scan3A = arith.constant 0 : i32
    %scan3A_76 = arith.constant 7 : i32
    %scan3A_77 = arith.addi %scan3A, %scan3A_76 : i32
    %scan3A_78 = arith.constant 1 : i32
    scf.for %scan3A_423 = %scan3A to %scan3A_77 step %scan3A_78  : i32 {
      %mul3A_424 = arith.constant 1 : i32
      %mul3A_425 = arith.muli %scan3A_423, %mul3A_424 : i32
      %add3A_426 = arith.constant 0 : i32
      %add3A_427 = arith.addi %add3A_426, %mul3A_425 : i32
      %mul3A_428 = arith.constant 6 : i32
      %mul3A_429 = arith.muli %mul3A_428, %add3A_427 : i32
      %add3A_430 = arith.constant 0 : i32
      %add3A_431 = arith.addi %mul3A_429, %add3A_430 : i32
      %mul3A_432 = arith.constant 1 : i32
      %mul3A_433 = arith.muli %add3A_431, %mul3A_432 : i32
      %add3A_434 = arith.constant 0 : i32
      %add3A_435 = arith.addi %mul3A_433, %add3A_434 : i32
      %dma_wait3A_436 = arith.constant 0 : i32
      %dma_wait3A_437 = arith.constant 0 : i32
      %dma_wait3A_438 = arith.constant 0 : i32
      %dma_wait3A_439 = tpu.memref_slice %arg7[%dma_wait3A_436, %dma_wait3A_437, %dma_wait3A_438] : memref<1x128x128xf32, #tpu.memory_space<vmem>> -> memref<1x128x128xf32, #tpu.memory_space<vmem>>
      %dma_wait3A_440 = tpu.memref_squeeze %dma_wait3A_439 : memref<1x128x128xf32, #tpu.memory_space<vmem>> -> memref<128x128xf32, #tpu.memory_space<vmem>>
      %dma_wait3A_441 = arith.constant 0 : i32
      %dma_wait3A_442 = tpu.memref_slice %arg6[%add3A_435, %dma_wait3A_441] : memref<50x128xi32, #tpu.memory_space<vmem>> -> memref<1x128xi32, #tpu.memory_space<vmem>>
      %dma_wait3A_443 = tpu.memref_squeeze %dma_wait3A_442 : memref<1x128xi32, #tpu.memory_space<vmem>> -> memref<128xi32, #tpu.memory_space<vmem>>
      %dma_wait3A_444 = arith.constant 0 : i32
      %dma_wait3A_445 = arith.constant 0 : i32
      %dma_wait3A_446 = tpu.memref_slice %arg5[%dma_wait3A_444, %dma_wait3A_445] : memref<100x128xf32, #tpu.memory_space<vmem_shared>> -> memref<100x128xf32, #tpu.memory_space<vmem_shared>>
      tpu.wait_indirect_dma semaphore(%arg13 : memref<!tpu.dma_semaphore, #tpu.memory_space<semaphore_mem>>) src(%dma_wait3A_446 : memref<100x128xf32, #tpu.memory_space<vmem_shared>>) dst(%dma_wait3A_440 : memref<128x128xf32, #tpu.memory_space<vmem>>)
      %add3A_447 = arith.constant 0 : i32
      %add3A_448 = arith.addi %mul3A_429, %add3A_447 : i32
      %mul3A_449 = arith.constant 1 : i32
      %mul3A_450 = arith.muli %add3A_448, %mul3A_449 : i32
      %dma_start3A_451 = arith.constant 0 : i32
      %dma_start3A_452 = arith.constant 0 : i32
      %dma_start3A_453 = arith.constant 0 : i32
      %dma_start3A_454 = tpu.memref_slice %arg7[%dma_start3A_451, %dma_start3A_452, %dma_start3A_453] : memref<1x128x128xf32, #tpu.memory_space<vmem>> -> memref<1x128x128xf32, #tpu.memory_space<vmem>>
      %dma_start3A_455 = arith.constant 0 : i32
      %dma_start3A_456 = tpu.memref_slice %arg4[%mul3A_450, %mul3A_2, %dma_start3A_455] : memref<50x4096x128xf32, #tpu.memory_space<hbm>> -> memref<1x128x128xf32, #tpu.memory_space<hbm>>
      %dma_start3A_457 = arith.constant 0 : i32
      %dma_start3A_458 = tpu.memref_slice %arg4[%mul3A_450, %mul3A_2, %dma_start3A_457] : memref<50x4096x128xf32, #tpu.memory_space<hbm>> -> memref<1x128x128xf32, #tpu.memory_space<hbm>>
      %dma_start3A_459 = arith.constant 0 : i32
      %dma_start3A_460 = arith.constant 0 : i32
      %dma_start3A_461 = arith.constant 0 : i32
      %dma_start3A_462 = tpu.memref_slice %arg7[%dma_start3A_459, %dma_start3A_460, %dma_start3A_461] : memref<1x128x128xf32, #tpu.memory_space<vmem>> -> memref<1x128x128xf32, #tpu.memory_space<vmem>>
      tpu.enqueue_dma source(%dma_start3A_462 : memref<1x128x128xf32, #tpu.memory_space<vmem>>) target(%dma_start3A_458 : memref<1x128x128xf32, #tpu.memory_space<hbm>>) target_semaphore(%arg19 : memref<!tpu.dma_semaphore, #tpu.memory_space<semaphore_mem>>)
      %add3A_463 = arith.constant 1 : i32
      %add3A_464 = arith.addi %mul3A_429, %add3A_463 : i32
      %mul3A_465 = arith.constant 1 : i32
      %mul3A_466 = arith.muli %add3A_464, %mul3A_465 : i32
      %add3A_467 = arith.constant 0 : i32
      %add3A_468 = arith.addi %mul3A_466, %add3A_467 : i32
      %dma_wait3A_469 = arith.constant 0 : i32
      %dma_wait3A_470 = arith.constant 0 : i32
      %dma_wait3A_471 = arith.constant 0 : i32
      %dma_wait3A_472 = tpu.memref_slice %arg8[%dma_wait3A_469, %dma_wait3A_470, %dma_wait3A_471] : memref<1x128x128xf32, #tpu.memory_space<vmem>> -> memref<1x128x128xf32, #tpu.memory_space<vmem>>
      %dma_wait3A_473 = tpu.memref_squeeze %dma_wait3A_472 : memref<1x128x128xf32, #tpu.memory_space<vmem>> -> memref<128x128xf32, #tpu.memory_space<vmem>>
      %dma_wait3A_474 = arith.constant 0 : i32
      %dma_wait3A_475 = tpu.memref_slice %arg6[%add3A_468, %dma_wait3A_474] : memref<50x128xi32, #tpu.memory_space<vmem>> -> memref<1x128xi32, #tpu.memory_space<vmem>>
      %dma_wait3A_476 = tpu.memref_squeeze %dma_wait3A_475 : memref<1x128xi32, #tpu.memory_space<vmem>> -> memref<128xi32, #tpu.memory_space<vmem>>
      %dma_wait3A_477 = arith.constant 0 : i32
      %dma_wait3A_478 = arith.constant 0 : i32
      %dma_wait3A_479 = tpu.memref_slice %arg5[%dma_wait3A_477, %dma_wait3A_478] : memref<100x128xf32, #tpu.memory_space<vmem_shared>> -> memref<100x128xf32, #tpu.memory_space<vmem_shared>>
      tpu.wait_indirect_dma semaphore(%arg14 : memref<!tpu.dma_semaphore, #tpu.memory_space<semaphore_mem>>) src(%dma_wait3A_479 : memref<100x128xf32, #tpu.memory_space<vmem_shared>>) dst(%dma_wait3A_473 : memref<128x128xf32, #tpu.memory_space<vmem>>)
      %add3A_480 = arith.constant 1 : i32
      %add3A_481 = arith.addi %mul3A_429, %add3A_480 : i32
      %mul3A_482 = arith.constant 1 : i32
      %mul3A_483 = arith.muli %add3A_481, %mul3A_482 : i32
      %dma_start3A_484 = arith.constant 0 : i32
      %dma_start3A_485 = arith.constant 0 : i32
      %dma_start3A_486 = arith.constant 0 : i32
      %dma_start3A_487 = tpu.memref_slice %arg8[%dma_start3A_484, %dma_start3A_485, %dma_start3A_486] : memref<1x128x128xf32, #tpu.memory_space<vmem>> -> memref<1x128x128xf32, #tpu.memory_space<vmem>>
      %dma_start3A_488 = arith.constant 0 : i32
      %dma_start3A_489 = tpu.memref_slice %arg4[%mul3A_483, %mul3A_2, %dma_start3A_488] : memref<50x4096x128xf32, #tpu.memory_space<hbm>> -> memref<1x128x128xf32, #tpu.memory_space<hbm>>
      %dma_start3A_490 = arith.constant 0 : i32
      %dma_start3A_491 = tpu.memref_slice %arg4[%mul3A_483, %mul3A_2, %dma_start3A_490] : memref<50x4096x128xf32, #tpu.memory_space<hbm>> -> memref<1x128x128xf32, #tpu.memory_space<hbm>>
      %dma_start3A_492 = arith.constant 0 : i32
      %dma_start3A_493 = arith.constant 0 : i32
      %dma_start3A_494 = arith.constant 0 : i32
      %dma_start3A_495 = tpu.memref_slice %arg8[%dma_start3A_492, %dma_start3A_493, %dma_start3A_494] : memref<1x128x128xf32, #tpu.memory_space<vmem>> -> memref<1x128x128xf32, #tpu.memory_space<vmem>>
      tpu.enqueue_dma source(%dma_start3A_495 : memref<1x128x128xf32, #tpu.memory_space<vmem>>) target(%dma_start3A_491 : memref<1x128x128xf32, #tpu.memory_space<hbm>>) target_semaphore(%arg20 : memref<!tpu.dma_semaphore, #tpu.memory_space<semaphore_mem>>)
      %add3A_496 = arith.constant 2 : i32
      %add3A_497 = arith.addi %mul3A_429, %add3A_496 : i32
      %mul3A_498 = arith.constant 1 : i32
      %mul3A_499 = arith.muli %add3A_497, %mul3A_498 : i32
      %add3A_500 = arith.constant 0 : i32
      %add3A_501 = arith.addi %mul3A_499, %add3A_500 : i32
      %dma_wait3A_502 = arith.constant 0 : i32
      %dma_wait3A_503 = arith.constant 0 : i32
      %dma_wait3A_504 = arith.constant 0 : i32
      %dma_wait3A_505 = tpu.memref_slice %arg9[%dma_wait3A_502, %dma_wait3A_503, %dma_wait3A_504] : memref<1x128x128xf32, #tpu.memory_space<vmem>> -> memref<1x128x128xf32, #tpu.memory_space<vmem>>
      %dma_wait3A_506 = tpu.memref_squeeze %dma_wait3A_505 : memref<1x128x128xf32, #tpu.memory_space<vmem>> -> memref<128x128xf32, #tpu.memory_space<vmem>>
      %dma_wait3A_507 = arith.constant 0 : i32
      %dma_wait3A_508 = tpu.memref_slice %arg6[%add3A_501, %dma_wait3A_507] : memref<50x128xi32, #tpu.memory_space<vmem>> -> memref<1x128xi32, #tpu.memory_space<vmem>>
      %dma_wait3A_509 = tpu.memref_squeeze %dma_wait3A_508 : memref<1x128xi32, #tpu.memory_space<vmem>> -> memref<128xi32, #tpu.memory_space<vmem>>
      %dma_wait3A_510 = arith.constant 0 : i32
      %dma_wait3A_511 = arith.constant 0 : i32
      %dma_wait3A_512 = tpu.memref_slice %arg5[%dma_wait3A_510, %dma_wait3A_511] : memref<100x128xf32, #tpu.memory_space<vmem_shared>> -> memref<100x128xf32, #tpu.memory_space<vmem_shared>>
      tpu.wait_indirect_dma semaphore(%arg15 : memref<!tpu.dma_semaphore, #tpu.memory_space<semaphore_mem>>) src(%dma_wait3A_512 : memref<100x128xf32, #tpu.memory_space<vmem_shared>>) dst(%dma_wait3A_506 : memref<128x128xf32, #tpu.memory_space<vmem>>)
      %add3A_513 = arith.constant 2 : i32
      %add3A_514 = arith.addi %mul3A_429, %add3A_513 : i32
      %mul3A_515 = arith.constant 1 : i32
      %mul3A_516 = arith.muli %add3A_514, %mul3A_515 : i32
      %dma_start3A_517 = arith.constant 0 : i32
      %dma_start3A_518 = arith.constant 0 : i32
      %dma_start3A_519 = arith.constant 0 : i32
      %dma_start3A_520 = tpu.memref_slice %arg9[%dma_start3A_517, %dma_start3A_518, %dma_start3A_519] : memref<1x128x128xf32, #tpu.memory_space<vmem>> -> memref<1x128x128xf32, #tpu.memory_space<vmem>>
      %dma_start3A_521 = arith.constant 0 : i32
      %dma_start3A_522 = tpu.memref_slice %arg4[%mul3A_516, %mul3A_2, %dma_start3A_521] : memref<50x4096x128xf32, #tpu.memory_space<hbm>> -> memref<1x128x128xf32, #tpu.memory_space<hbm>>
      %dma_start3A_523 = arith.constant 0 : i32
      %dma_start3A_524 = tpu.memref_slice %arg4[%mul3A_516, %mul3A_2, %dma_start3A_523] : memref<50x4096x128xf32, #tpu.memory_space<hbm>> -> memref<1x128x128xf32, #tpu.memory_space<hbm>>
      %dma_start3A_525 = arith.constant 0 : i32
      %dma_start3A_526 = arith.constant 0 : i32
      %dma_start3A_527 = arith.constant 0 : i32
      %dma_start3A_528 = tpu.memref_slice %arg9[%dma_start3A_525, %dma_start3A_526, %dma_start3A_527] : memref<1x128x128xf32, #tpu.memory_space<vmem>> -> memref<1x128x128xf32, #tpu.memory_space<vmem>>
      tpu.enqueue_dma source(%dma_start3A_528 : memref<1x128x128xf32, #tpu.memory_space<vmem>>) target(%dma_start3A_524 : memref<1x128x128xf32, #tpu.memory_space<hbm>>) target_semaphore(%arg21 : memref<!tpu.dma_semaphore, #tpu.memory_space<semaphore_mem>>)
      %add3A_529 = arith.constant 3 : i32
      %add3A_530 = arith.addi %mul3A_429, %add3A_529 : i32
      %mul3A_531 = arith.constant 1 : i32
      %mul3A_532 = arith.muli %add3A_530, %mul3A_531 : i32
      %add3A_533 = arith.constant 0 : i32
      %add3A_534 = arith.addi %mul3A_532, %add3A_533 : i32
      %dma_wait3A_535 = arith.constant 0 : i32
      %dma_wait3A_536 = arith.constant 0 : i32
      %dma_wait3A_537 = arith.constant 0 : i32
      %dma_wait3A_538 = tpu.memref_slice %arg10[%dma_wait3A_535, %dma_wait3A_536, %dma_wait3A_537] : memref<1x128x128xf32, #tpu.memory_space<vmem>> -> memref<1x128x128xf32, #tpu.memory_space<vmem>>
      %dma_wait3A_539 = tpu.memref_squeeze %dma_wait3A_538 : memref<1x128x128xf32, #tpu.memory_space<vmem>> -> memref<128x128xf32, #tpu.memory_space<vmem>>
      %dma_wait3A_540 = arith.constant 0 : i32
      %dma_wait3A_541 = tpu.memref_slice %arg6[%add3A_534, %dma_wait3A_540] : memref<50x128xi32, #tpu.memory_space<vmem>> -> memref<1x128xi32, #tpu.memory_space<vmem>>
      %dma_wait3A_542 = tpu.memref_squeeze %dma_wait3A_541 : memref<1x128xi32, #tpu.memory_space<vmem>> -> memref<128xi32, #tpu.memory_space<vmem>>
      %dma_wait3A_543 = arith.constant 0 : i32
      %dma_wait3A_544 = arith.constant 0 : i32
      %dma_wait3A_545 = tpu.memref_slice %arg5[%dma_wait3A_543, %dma_wait3A_544] : memref<100x128xf32, #tpu.memory_space<vmem_shared>> -> memref<100x128xf32, #tpu.memory_space<vmem_shared>>
      tpu.wait_indirect_dma semaphore(%arg16 : memref<!tpu.dma_semaphore, #tpu.memory_space<semaphore_mem>>) src(%dma_wait3A_545 : memref<100x128xf32, #tpu.memory_space<vmem_shared>>) dst(%dma_wait3A_539 : memref<128x128xf32, #tpu.memory_space<vmem>>)
      %add3A_546 = arith.constant 3 : i32
      %add3A_547 = arith.addi %mul3A_429, %add3A_546 : i32
      %mul3A_548 = arith.constant 1 : i32
      %mul3A_549 = arith.muli %add3A_547, %mul3A_548 : i32
      %dma_start3A_550 = arith.constant 0 : i32
      %dma_start3A_551 = arith.constant 0 : i32
      %dma_start3A_552 = arith.constant 0 : i32
      %dma_start3A_553 = tpu.memref_slice %arg10[%dma_start3A_550, %dma_start3A_551, %dma_start3A_552] : memref<1x128x128xf32, #tpu.memory_space<vmem>> -> memref<1x128x128xf32, #tpu.memory_space<vmem>>
      %dma_start3A_554 = arith.constant 0 : i32
      %dma_start3A_555 = tpu.memref_slice %arg4[%mul3A_549, %mul3A_2, %dma_start3A_554] : memref<50x4096x128xf32, #tpu.memory_space<hbm>> -> memref<1x128x128xf32, #tpu.memory_space<hbm>>
      %dma_start3A_556 = arith.constant 0 : i32
      %dma_start3A_557 = tpu.memref_slice %arg4[%mul3A_549, %mul3A_2, %dma_start3A_556] : memref<50x4096x128xf32, #tpu.memory_space<hbm>> -> memref<1x128x128xf32, #tpu.memory_space<hbm>>
      %dma_start3A_558 = arith.constant 0 : i32
      %dma_start3A_559 = arith.constant 0 : i32
      %dma_start3A_560 = arith.constant 0 : i32
      %dma_start3A_561 = tpu.memref_slice %arg10[%dma_start3A_558, %dma_start3A_559, %dma_start3A_560] : memref<1x128x128xf32, #tpu.memory_space<vmem>> -> memref<1x128x128xf32, #tpu.memory_space<vmem>>
      tpu.enqueue_dma source(%dma_start3A_561 : memref<1x128x128xf32, #tpu.memory_space<vmem>>) target(%dma_start3A_557 : memref<1x128x128xf32, #tpu.memory_space<hbm>>) target_semaphore(%arg22 : memref<!tpu.dma_semaphore, #tpu.memory_space<semaphore_mem>>)
      %add3A_562 = arith.constant 4 : i32
      %add3A_563 = arith.addi %mul3A_429, %add3A_562 : i32
      %mul3A_564 = arith.constant 1 : i32
      %mul3A_565 = arith.muli %add3A_563, %mul3A_564 : i32
      %add3A_566 = arith.constant 0 : i32
      %add3A_567 = arith.addi %mul3A_565, %add3A_566 : i32
      %dma_wait3A_568 = arith.constant 0 : i32
      %dma_wait3A_569 = arith.constant 0 : i32
      %dma_wait3A_570 = arith.constant 0 : i32
      %dma_wait3A_571 = tpu.memref_slice %arg11[%dma_wait3A_568, %dma_wait3A_569, %dma_wait3A_570] : memref<1x128x128xf32, #tpu.memory_space<vmem>> -> memref<1x128x128xf32, #tpu.memory_space<vmem>>
      %dma_wait3A_572 = tpu.memref_squeeze %dma_wait3A_571 : memref<1x128x128xf32, #tpu.memory_space<vmem>> -> memref<128x128xf32, #tpu.memory_space<vmem>>
      %dma_wait3A_573 = arith.constant 0 : i32
      %dma_wait3A_574 = tpu.memref_slice %arg6[%add3A_567, %dma_wait3A_573] : memref<50x128xi32, #tpu.memory_space<vmem>> -> memref<1x128xi32, #tpu.memory_space<vmem>>
      %dma_wait3A_575 = tpu.memref_squeeze %dma_wait3A_574 : memref<1x128xi32, #tpu.memory_space<vmem>> -> memref<128xi32, #tpu.memory_space<vmem>>
      %dma_wait3A_576 = arith.constant 0 : i32
      %dma_wait3A_577 = arith.constant 0 : i32
      %dma_wait3A_578 = tpu.memref_slice %arg5[%dma_wait3A_576, %dma_wait3A_577] : memref<100x128xf32, #tpu.memory_space<vmem_shared>> -> memref<100x128xf32, #tpu.memory_space<vmem_shared>>
      tpu.wait_indirect_dma semaphore(%arg17 : memref<!tpu.dma_semaphore, #tpu.memory_space<semaphore_mem>>) src(%dma_wait3A_578 : memref<100x128xf32, #tpu.memory_space<vmem_shared>>) dst(%dma_wait3A_572 : memref<128x128xf32, #tpu.memory_space<vmem>>)
      %add3A_579 = arith.constant 4 : i32
      %add3A_580 = arith.addi %mul3A_429, %add3A_579 : i32
      %mul3A_581 = arith.constant 1 : i32
      %mul3A_582 = arith.muli %add3A_580, %mul3A_581 : i32
      %dma_start3A_583 = arith.constant 0 : i32
      %dma_start3A_584 = arith.constant 0 : i32
      %dma_start3A_585 = arith.constant 0 : i32
      %dma_start3A_586 = tpu.memref_slice %arg11[%dma_start3A_583, %dma_start3A_584, %dma_start3A_585] : memref<1x128x128xf32, #tpu.memory_space<vmem>> -> memref<1x128x128xf32, #tpu.memory_space<vmem>>
      %dma_start3A_587 = arith.constant 0 : i32
      %dma_start3A_588 = tpu.memref_slice %arg4[%mul3A_582, %mul3A_2, %dma_start3A_587] : memref<50x4096x128xf32, #tpu.memory_space<hbm>> -> memref<1x128x128xf32, #tpu.memory_space<hbm>>
      %dma_start3A_589 = arith.constant 0 : i32
      %dma_start3A_590 = tpu.memref_slice %arg4[%mul3A_582, %mul3A_2, %dma_start3A_589] : memref<50x4096x128xf32, #tpu.memory_space<hbm>> -> memref<1x128x128xf32, #tpu.memory_space<hbm>>
      %dma_start3A_591 = arith.constant 0 : i32
      %dma_start3A_592 = arith.constant 0 : i32
      %dma_start3A_593 = arith.constant 0 : i32
      %dma_start3A_594 = tpu.memref_slice %arg11[%dma_start3A_591, %dma_start3A_592, %dma_start3A_593] : memref<1x128x128xf32, #tpu.memory_space<vmem>> -> memref<1x128x128xf32, #tpu.memory_space<vmem>>
      tpu.enqueue_dma source(%dma_start3A_594 : memref<1x128x128xf32, #tpu.memory_space<vmem>>) target(%dma_start3A_590 : memref<1x128x128xf32, #tpu.memory_space<hbm>>) target_semaphore(%arg23 : memref<!tpu.dma_semaphore, #tpu.memory_space<semaphore_mem>>)
      %add3A_595 = arith.constant 5 : i32
      %add3A_596 = arith.addi %mul3A_429, %add3A_595 : i32
      %mul3A_597 = arith.constant 1 : i32
      %mul3A_598 = arith.muli %add3A_596, %mul3A_597 : i32
      %add3A_599 = arith.constant 0 : i32
      %add3A_600 = arith.addi %mul3A_598, %add3A_599 : i32
      %dma_wait3A_601 = arith.constant 0 : i32
      %dma_wait3A_602 = arith.constant 0 : i32
      %dma_wait3A_603 = arith.constant 0 : i32
      %dma_wait3A_604 = tpu.memref_slice %arg12[%dma_wait3A_601, %dma_wait3A_602, %dma_wait3A_603] : memref<1x128x128xf32, #tpu.memory_space<vmem>> -> memref<1x128x128xf32, #tpu.memory_space<vmem>>
      %dma_wait3A_605 = tpu.memref_squeeze %dma_wait3A_604 : memref<1x128x128xf32, #tpu.memory_space<vmem>> -> memref<128x128xf32, #tpu.memory_space<vmem>>
      %dma_wait3A_606 = arith.constant 0 : i32
      %dma_wait3A_607 = tpu.memref_slice %arg6[%add3A_600, %dma_wait3A_606] : memref<50x128xi32, #tpu.memory_space<vmem>> -> memref<1x128xi32, #tpu.memory_space<vmem>>
      %dma_wait3A_608 = tpu.memref_squeeze %dma_wait3A_607 : memref<1x128xi32, #tpu.memory_space<vmem>> -> memref<128xi32, #tpu.memory_space<vmem>>
      %dma_wait3A_609 = arith.constant 0 : i32
      %dma_wait3A_610 = arith.constant 0 : i32
      %dma_wait3A_611 = tpu.memref_slice %arg5[%dma_wait3A_609, %dma_wait3A_610] : memref<100x128xf32, #tpu.memory_space<vmem_shared>> -> memref<100x128xf32, #tpu.memory_space<vmem_shared>>
      tpu.wait_indirect_dma semaphore(%arg18 : memref<!tpu.dma_semaphore, #tpu.memory_space<semaphore_mem>>) src(%dma_wait3A_611 : memref<100x128xf32, #tpu.memory_space<vmem_shared>>) dst(%dma_wait3A_605 : memref<128x128xf32, #tpu.memory_space<vmem>>)
      %add3A_612 = arith.constant 5 : i32
      %add3A_613 = arith.addi %mul3A_429, %add3A_612 : i32
      %mul3A_614 = arith.constant 1 : i32
      %mul3A_615 = arith.muli %add3A_613, %mul3A_614 : i32
      %dma_start3A_616 = arith.constant 0 : i32
      %dma_start3A_617 = arith.constant 0 : i32
      %dma_start3A_618 = arith.constant 0 : i32
      %dma_start3A_619 = tpu.memref_slice %arg12[%dma_start3A_616, %dma_start3A_617, %dma_start3A_618] : memref<1x128x128xf32, #tpu.memory_space<vmem>> -> memref<1x128x128xf32, #tpu.memory_space<vmem>>
      %dma_start3A_620 = arith.constant 0 : i32
      %dma_start3A_621 = tpu.memref_slice %arg4[%mul3A_615, %mul3A_2, %dma_start3A_620] : memref<50x4096x128xf32, #tpu.memory_space<hbm>> -> memref<1x128x128xf32, #tpu.memory_space<hbm>>
      %dma_start3A_622 = arith.constant 0 : i32
      %dma_start3A_623 = tpu.memref_slice %arg4[%mul3A_615, %mul3A_2, %dma_start3A_622] : memref<50x4096x128xf32, #tpu.memory_space<hbm>> -> memref<1x128x128xf32, #tpu.memory_space<hbm>>
      %dma_start3A_624 = arith.constant 0 : i32
      %dma_start3A_625 = arith.constant 0 : i32
      %dma_start3A_626 = arith.constant 0 : i32
      %dma_start3A_627 = tpu.memref_slice %arg12[%dma_start3A_624, %dma_start3A_625, %dma_start3A_626] : memref<1x128x128xf32, #tpu.memory_space<vmem>> -> memref<1x128x128xf32, #tpu.memory_space<vmem>>
      tpu.enqueue_dma source(%dma_start3A_627 : memref<1x128x128xf32, #tpu.memory_space<vmem>>) target(%dma_start3A_623 : memref<1x128x128xf32, #tpu.memory_space<hbm>>) target_semaphore(%arg24 : memref<!tpu.dma_semaphore, #tpu.memory_space<semaphore_mem>>)
      %dma_wait3A_628 = arith.constant 0 : i32
      %dma_wait3A_629 = arith.constant 0 : i32
      %dma_wait3A_630 = arith.constant 0 : i32
      %dma_wait3A_631 = tpu.memref_slice %arg7[%dma_wait3A_628, %dma_wait3A_629, %dma_wait3A_630] : memref<1x128x128xf32, #tpu.memory_space<vmem>> -> memref<1x128x128xf32, #tpu.memory_space<vmem>>
      %dma_wait3A_632 = arith.constant 0 : i32
      %dma_wait3A_633 = arith.constant 0 : i32
      %dma_wait3A_634 = tpu.memref_slice %arg4[%dma_wait3A_632, %mul3A_2, %dma_wait3A_633] : memref<50x4096x128xf32, #tpu.memory_space<hbm>> -> memref<1x128x128xf32, #tpu.memory_space<hbm>>
      %dma_wait3A_635 = arith.constant 0 : i32
      %dma_wait3A_636 = arith.constant 0 : i32
      %dma_wait3A_637 = tpu.memref_slice %arg4[%dma_wait3A_635, %mul3A_2, %dma_wait3A_636] : memref<50x4096x128xf32, #tpu.memory_space<hbm>> -> memref<1x128x128xf32, #tpu.memory_space<hbm>>
      %dma_wait3A_638 = arith.constant 0 : i32
      %dma_wait3A_639 = arith.constant 0 : i32
      %dma_wait3A_640 = arith.constant 0 : i32
      %dma_wait3A_641 = tpu.memref_slice %arg7[%dma_wait3A_638, %dma_wait3A_639, %dma_wait3A_640] : memref<1x128x128xf32, #tpu.memory_space<vmem>> -> memref<1x128x128xf32, #tpu.memory_space<vmem>>
      tpu.wait_dma2 semaphore(%arg19 : memref<!tpu.dma_semaphore, #tpu.memory_space<semaphore_mem>>) src(%dma_wait3A_641 : memref<1x128x128xf32, #tpu.memory_space<vmem>>) dst(%dma_wait3A_637 : memref<1x128x128xf32, #tpu.memory_space<hbm>>)
      %add3A_642 = arith.constant 6 : i32
      %add3A_643 = arith.addi %mul3A_429, %add3A_642 : i32
      %add3A_644 = arith.constant 0 : i32
      %add3A_645 = arith.addi %add3A_643, %add3A_644 : i32
      %mul3A_646 = arith.constant 1 : i32
      %mul3A_647 = arith.muli %add3A_645, %mul3A_646 : i32
      %add3A_648 = arith.constant 0 : i32
      %add3A_649 = arith.addi %mul3A_647, %add3A_648 : i32
      %dma_start3A_650 = arith.constant 0 : i32
      %dma_start3A_651 = arith.constant 0 : i32
      %dma_start3A_652 = arith.constant 0 : i32
      %dma_start3A_653 = tpu.memref_slice %arg7[%dma_start3A_650, %dma_start3A_651, %dma_start3A_652] : memref<1x128x128xf32, #tpu.memory_space<vmem>> -> memref<1x128x128xf32, #tpu.memory_space<vmem>>
      %dma_start3A_654 = tpu.memref_squeeze %dma_start3A_653 : memref<1x128x128xf32, #tpu.memory_space<vmem>> -> memref<128x128xf32, #tpu.memory_space<vmem>>
      %dma_start3A_655 = arith.constant 0 : i32
      %dma_start3A_656 = tpu.memref_slice %arg6[%add3A_649, %dma_start3A_655] : memref<50x128xi32, #tpu.memory_space<vmem>> -> memref<1x128xi32, #tpu.memory_space<vmem>>
      %dma_start3A_657 = tpu.memref_squeeze %dma_start3A_656 : memref<1x128xi32, #tpu.memory_space<vmem>> -> memref<128xi32, #tpu.memory_space<vmem>>
      %dma_start3A_658 = arith.constant 0 : i32
      %dma_start3A_659 = arith.constant 0 : i32
      %dma_start3A_660 = tpu.memref_slice %arg5[%dma_start3A_658, %dma_start3A_659] : memref<100x128xf32, #tpu.memory_space<vmem_shared>> -> memref<100x128xf32, #tpu.memory_space<vmem_shared>>
      tpu.enqueue_indirect_dma source(%dma_start3A_660 : memref<100x128xf32, #tpu.memory_space<vmem_shared>>) target(%dma_start3A_654 : memref<128x128xf32, #tpu.memory_space<vmem>>) offsets(%dma_start3A_657 : memref<128xi32, #tpu.memory_space<vmem>>) semaphore(%arg13 : memref<!tpu.dma_semaphore, #tpu.memory_space<semaphore_mem>>)
      %dma_wait3A_661 = arith.constant 0 : i32
      %dma_wait3A_662 = arith.constant 0 : i32
      %dma_wait3A_663 = arith.constant 0 : i32
      %dma_wait3A_664 = tpu.memref_slice %arg8[%dma_wait3A_661, %dma_wait3A_662, %dma_wait3A_663] : memref<1x128x128xf32, #tpu.memory_space<vmem>> -> memref<1x128x128xf32, #tpu.memory_space<vmem>>
      %dma_wait3A_665 = arith.constant 0 : i32
      %dma_wait3A_666 = arith.constant 0 : i32
      %dma_wait3A_667 = tpu.memref_slice %arg4[%dma_wait3A_665, %mul3A_2, %dma_wait3A_666] : memref<50x4096x128xf32, #tpu.memory_space<hbm>> -> memref<1x128x128xf32, #tpu.memory_space<hbm>>
      %dma_wait3A_668 = arith.constant 0 : i32
      %dma_wait3A_669 = arith.constant 0 : i32
      %dma_wait3A_670 = tpu.memref_slice %arg4[%dma_wait3A_668, %mul3A_2, %dma_wait3A_669] : memref<50x4096x128xf32, #tpu.memory_space<hbm>> -> memref<1x128x128xf32, #tpu.memory_space<hbm>>
      %dma_wait3A_671 = arith.constant 0 : i32
      %dma_wait3A_672 = arith.constant 0 : i32
      %dma_wait3A_673 = arith.constant 0 : i32
      %dma_wait3A_674 = tpu.memref_slice %arg8[%dma_wait3A_671, %dma_wait3A_672, %dma_wait3A_673] : memref<1x128x128xf32, #tpu.memory_space<vmem>> -> memref<1x128x128xf32, #tpu.memory_space<vmem>>
      tpu.wait_dma2 semaphore(%arg20 : memref<!tpu.dma_semaphore, #tpu.memory_space<semaphore_mem>>) src(%dma_wait3A_674 : memref<1x128x128xf32, #tpu.memory_space<vmem>>) dst(%dma_wait3A_670 : memref<1x128x128xf32, #tpu.memory_space<hbm>>)
      %add3A_675 = arith.constant 6 : i32
      %add3A_676 = arith.addi %mul3A_429, %add3A_675 : i32
      %add3A_677 = arith.constant 1 : i32
      %add3A_678 = arith.addi %add3A_676, %add3A_677 : i32
      %mul3A_679 = arith.constant 1 : i32
      %mul3A_680 = arith.muli %add3A_678, %mul3A_679 : i32
      %add3A_681 = arith.constant 0 : i32
      %add3A_682 = arith.addi %mul3A_680, %add3A_681 : i32
      %dma_start3A_683 = arith.constant 0 : i32
      %dma_start3A_684 = arith.constant 0 : i32
      %dma_start3A_685 = arith.constant 0 : i32
      %dma_start3A_686 = tpu.memref_slice %arg8[%dma_start3A_683, %dma_start3A_684, %dma_start3A_685] : memref<1x128x128xf32, #tpu.memory_space<vmem>> -> memref<1x128x128xf32, #tpu.memory_space<vmem>>
      %dma_start3A_687 = tpu.memref_squeeze %dma_start3A_686 : memref<1x128x128xf32, #tpu.memory_space<vmem>> -> memref<128x128xf32, #tpu.memory_space<vmem>>
      %dma_start3A_688 = arith.constant 0 : i32
      %dma_start3A_689 = tpu.memref_slice %arg6[%add3A_682, %dma_start3A_688] : memref<50x128xi32, #tpu.memory_space<vmem>> -> memref<1x128xi32, #tpu.memory_space<vmem>>
      %dma_start3A_690 = tpu.memref_squeeze %dma_start3A_689 : memref<1x128xi32, #tpu.memory_space<vmem>> -> memref<128xi32, #tpu.memory_space<vmem>>
      %dma_start3A_691 = arith.constant 0 : i32
      %dma_start3A_692 = arith.constant 0 : i32
      %dma_start3A_693 = tpu.memref_slice %arg5[%dma_start3A_691, %dma_start3A_692] : memref<100x128xf32, #tpu.memory_space<vmem_shared>> -> memref<100x128xf32, #tpu.memory_space<vmem_shared>>
      tpu.enqueue_indirect_dma source(%dma_start3A_693 : memref<100x128xf32, #tpu.memory_space<vmem_shared>>) target(%dma_start3A_687 : memref<128x128xf32, #tpu.memory_space<vmem>>) offsets(%dma_start3A_690 : memref<128xi32, #tpu.memory_space<vmem>>) semaphore(%arg14 : memref<!tpu.dma_semaphore, #tpu.memory_space<semaphore_mem>>)
      %dma_wait3A_694 = arith.constant 0 : i32
      %dma_wait3A_695 = arith.constant 0 : i32
      %dma_wait3A_696 = arith.constant 0 : i32
      %dma_wait3A_697 = tpu.memref_slice %arg9[%dma_wait3A_694, %dma_wait3A_695, %dma_wait3A_696] : memref<1x128x128xf32, #tpu.memory_space<vmem>> -> memref<1x128x128xf32, #tpu.memory_space<vmem>>
      %dma_wait3A_698 = arith.constant 0 : i32
      %dma_wait3A_699 = arith.constant 0 : i32
      %dma_wait3A_700 = tpu.memref_slice %arg4[%dma_wait3A_698, %mul3A_2, %dma_wait3A_699] : memref<50x4096x128xf32, #tpu.memory_space<hbm>> -> memref<1x128x128xf32, #tpu.memory_space<hbm>>
      %dma_wait3A_701 = arith.constant 0 : i32
      %dma_wait3A_702 = arith.constant 0 : i32
      %dma_wait3A_703 = tpu.memref_slice %arg4[%dma_wait3A_701, %mul3A_2, %dma_wait3A_702] : memref<50x4096x128xf32, #tpu.memory_space<hbm>> -> memref<1x128x128xf32, #tpu.memory_space<hbm>>
      %dma_wait3A_704 = arith.constant 0 : i32
      %dma_wait3A_705 = arith.constant 0 : i32
      %dma_wait3A_706 = arith.constant 0 : i32
      %dma_wait3A_707 = tpu.memref_slice %arg9[%dma_wait3A_704, %dma_wait3A_705, %dma_wait3A_706] : memref<1x128x128xf32, #tpu.memory_space<vmem>> -> memref<1x128x128xf32, #tpu.memory_space<vmem>>
      tpu.wait_dma2 semaphore(%arg21 : memref<!tpu.dma_semaphore, #tpu.memory_space<semaphore_mem>>) src(%dma_wait3A_707 : memref<1x128x128xf32, #tpu.memory_space<vmem>>) dst(%dma_wait3A_703 : memref<1x128x128xf32, #tpu.memory_space<hbm>>)
      %add3A_708 = arith.constant 6 : i32
      %add3A_709 = arith.addi %mul3A_429, %add3A_708 : i32
      %add3A_710 = arith.constant 2 : i32
      %add3A_711 = arith.addi %add3A_709, %add3A_710 : i32
      %mul3A_712 = arith.constant 1 : i32
      %mul3A_713 = arith.muli %add3A_711, %mul3A_712 : i32
      %add3A_714 = arith.constant 0 : i32
      %add3A_715 = arith.addi %mul3A_713, %add3A_714 : i32
      %dma_start3A_716 = arith.constant 0 : i32
      %dma_start3A_717 = arith.constant 0 : i32
      %dma_start3A_718 = arith.constant 0 : i32
      %dma_start3A_719 = tpu.memref_slice %arg9[%dma_start3A_716, %dma_start3A_717, %dma_start3A_718] : memref<1x128x128xf32, #tpu.memory_space<vmem>> -> memref<1x128x128xf32, #tpu.memory_space<vmem>>
      %dma_start3A_720 = tpu.memref_squeeze %dma_start3A_719 : memref<1x128x128xf32, #tpu.memory_space<vmem>> -> memref<128x128xf32, #tpu.memory_space<vmem>>
      %dma_start3A_721 = arith.constant 0 : i32
      %dma_start3A_722 = tpu.memref_slice %arg6[%add3A_715, %dma_start3A_721] : memref<50x128xi32, #tpu.memory_space<vmem>> -> memref<1x128xi32, #tpu.memory_space<vmem>>
      %dma_start3A_723 = tpu.memref_squeeze %dma_start3A_722 : memref<1x128xi32, #tpu.memory_space<vmem>> -> memref<128xi32, #tpu.memory_space<vmem>>
      %dma_start3A_724 = arith.constant 0 : i32
      %dma_start3A_725 = arith.constant 0 : i32
      %dma_start3A_726 = tpu.memref_slice %arg5[%dma_start3A_724, %dma_start3A_725] : memref<100x128xf32, #tpu.memory_space<vmem_shared>> -> memref<100x128xf32, #tpu.memory_space<vmem_shared>>
      tpu.enqueue_indirect_dma source(%dma_start3A_726 : memref<100x128xf32, #tpu.memory_space<vmem_shared>>) target(%dma_start3A_720 : memref<128x128xf32, #tpu.memory_space<vmem>>) offsets(%dma_start3A_723 : memref<128xi32, #tpu.memory_space<vmem>>) semaphore(%arg15 : memref<!tpu.dma_semaphore, #tpu.memory_space<semaphore_mem>>)
      %dma_wait3A_727 = arith.constant 0 : i32
      %dma_wait3A_728 = arith.constant 0 : i32
      %dma_wait3A_729 = arith.constant 0 : i32
      %dma_wait3A_730 = tpu.memref_slice %arg10[%dma_wait3A_727, %dma_wait3A_728, %dma_wait3A_729] : memref<1x128x128xf32, #tpu.memory_space<vmem>> -> memref<1x128x128xf32, #tpu.memory_space<vmem>>
      %dma_wait3A_731 = arith.constant 0 : i32
      %dma_wait3A_732 = arith.constant 0 : i32
      %dma_wait3A_733 = tpu.memref_slice %arg4[%dma_wait3A_731, %mul3A_2, %dma_wait3A_732] : memref<50x4096x128xf32, #tpu.memory_space<hbm>> -> memref<1x128x128xf32, #tpu.memory_space<hbm>>
      %dma_wait3A_734 = arith.constant 0 : i32
      %dma_wait3A_735 = arith.constant 0 : i32
      %dma_wait3A_736 = tpu.memref_slice %arg4[%dma_wait3A_734, %mul3A_2, %dma_wait3A_735] : memref<50x4096x128xf32, #tpu.memory_space<hbm>> -> memref<1x128x128xf32, #tpu.memory_space<hbm>>
      %dma_wait3A_737 = arith.constant 0 : i32
      %dma_wait3A_738 = arith.constant 0 : i32
      %dma_wait3A_739 = arith.constant 0 : i32
      %dma_wait3A_740 = tpu.memref_slice %arg10[%dma_wait3A_737, %dma_wait3A_738, %dma_wait3A_739] : memref<1x128x128xf32, #tpu.memory_space<vmem>> -> memref<1x128x128xf32, #tpu.memory_space<vmem>>
      tpu.wait_dma2 semaphore(%arg22 : memref<!tpu.dma_semaphore, #tpu.memory_space<semaphore_mem>>) src(%dma_wait3A_740 : memref<1x128x128xf32, #tpu.memory_space<vmem>>) dst(%dma_wait3A_736 : memref<1x128x128xf32, #tpu.memory_space<hbm>>)
      %add3A_741 = arith.constant 6 : i32
      %add3A_742 = arith.addi %mul3A_429, %add3A_741 : i32
      %add3A_743 = arith.constant 3 : i32
      %add3A_744 = arith.addi %add3A_742, %add3A_743 : i32
      %mul3A_745 = arith.constant 1 : i32
      %mul3A_746 = arith.muli %add3A_744, %mul3A_745 : i32
      %add3A_747 = arith.constant 0 : i32
      %add3A_748 = arith.addi %mul3A_746, %add3A_747 : i32
      %dma_start3A_749 = arith.constant 0 : i32
      %dma_start3A_750 = arith.constant 0 : i32
      %dma_start3A_751 = arith.constant 0 : i32
      %dma_start3A_752 = tpu.memref_slice %arg10[%dma_start3A_749, %dma_start3A_750, %dma_start3A_751] : memref<1x128x128xf32, #tpu.memory_space<vmem>> -> memref<1x128x128xf32, #tpu.memory_space<vmem>>
      %dma_start3A_753 = tpu.memref_squeeze %dma_start3A_752 : memref<1x128x128xf32, #tpu.memory_space<vmem>> -> memref<128x128xf32, #tpu.memory_space<vmem>>
      %dma_start3A_754 = arith.constant 0 : i32
      %dma_start3A_755 = tpu.memref_slice %arg6[%add3A_748, %dma_start3A_754] : memref<50x128xi32, #tpu.memory_space<vmem>> -> memref<1x128xi32, #tpu.memory_space<vmem>>
      %dma_start3A_756 = tpu.memref_squeeze %dma_start3A_755 : memref<1x128xi32, #tpu.memory_space<vmem>> -> memref<128xi32, #tpu.memory_space<vmem>>
      %dma_start3A_757 = arith.constant 0 : i32
      %dma_start3A_758 = arith.constant 0 : i32
      %dma_start3A_759 = tpu.memref_slice %arg5[%dma_start3A_757, %dma_start3A_758] : memref<100x128xf32, #tpu.memory_space<vmem_shared>> -> memref<100x128xf32, #tpu.memory_space<vmem_shared>>
      tpu.enqueue_indirect_dma source(%dma_start3A_759 : memref<100x128xf32, #tpu.memory_space<vmem_shared>>) target(%dma_start3A_753 : memref<128x128xf32, #tpu.memory_space<vmem>>) offsets(%dma_start3A_756 : memref<128xi32, #tpu.memory_space<vmem>>) semaphore(%arg16 : memref<!tpu.dma_semaphore, #tpu.memory_space<semaphore_mem>>)
      %dma_wait3A_760 = arith.constant 0 : i32
      %dma_wait3A_761 = arith.constant 0 : i32
      %dma_wait3A_762 = arith.constant 0 : i32
      %dma_wait3A_763 = tpu.memref_slice %arg11[%dma_wait3A_760, %dma_wait3A_761, %dma_wait3A_762] : memref<1x128x128xf32, #tpu.memory_space<vmem>> -> memref<1x128x128xf32, #tpu.memory_space<vmem>>
      %dma_wait3A_764 = arith.constant 0 : i32
      %dma_wait3A_765 = arith.constant 0 : i32
      %dma_wait3A_766 = tpu.memref_slice %arg4[%dma_wait3A_764, %mul3A_2, %dma_wait3A_765] : memref<50x4096x128xf32, #tpu.memory_space<hbm>> -> memref<1x128x128xf32, #tpu.memory_space<hbm>>
      %dma_wait3A_767 = arith.constant 0 : i32
      %dma_wait3A_768 = arith.constant 0 : i32
      %dma_wait3A_769 = tpu.memref_slice %arg4[%dma_wait3A_767, %mul3A_2, %dma_wait3A_768] : memref<50x4096x128xf32, #tpu.memory_space<hbm>> -> memref<1x128x128xf32, #tpu.memory_space<hbm>>
      %dma_wait3A_770 = arith.constant 0 : i32
      %dma_wait3A_771 = arith.constant 0 : i32
      %dma_wait3A_772 = arith.constant 0 : i32
      %dma_wait3A_773 = tpu.memref_slice %arg11[%dma_wait3A_770, %dma_wait3A_771, %dma_wait3A_772] : memref<1x128x128xf32, #tpu.memory_space<vmem>> -> memref<1x128x128xf32, #tpu.memory_space<vmem>>
      tpu.wait_dma2 semaphore(%arg23 : memref<!tpu.dma_semaphore, #tpu.memory_space<semaphore_mem>>) src(%dma_wait3A_773 : memref<1x128x128xf32, #tpu.memory_space<vmem>>) dst(%dma_wait3A_769 : memref<1x128x128xf32, #tpu.memory_space<hbm>>)
      %add3A_774 = arith.constant 6 : i32
      %add3A_775 = arith.addi %mul3A_429, %add3A_774 : i32
      %add3A_776 = arith.constant 4 : i32
      %add3A_777 = arith.addi %add3A_775, %add3A_776 : i32
      %mul3A_778 = arith.constant 1 : i32
      %mul3A_779 = arith.muli %add3A_777, %mul3A_778 : i32
      %add3A_780 = arith.constant 0 : i32
      %add3A_781 = arith.addi %mul3A_779, %add3A_780 : i32
      %dma_start3A_782 = arith.constant 0 : i32
      %dma_start3A_783 = arith.constant 0 : i32
      %dma_start3A_784 = arith.constant 0 : i32
      %dma_start3A_785 = tpu.memref_slice %arg11[%dma_start3A_782, %dma_start3A_783, %dma_start3A_784] : memref<1x128x128xf32, #tpu.memory_space<vmem>> -> memref<1x128x128xf32, #tpu.memory_space<vmem>>
      %dma_start3A_786 = tpu.memref_squeeze %dma_start3A_785 : memref<1x128x128xf32, #tpu.memory_space<vmem>> -> memref<128x128xf32, #tpu.memory_space<vmem>>
      %dma_start3A_787 = arith.constant 0 : i32
      %dma_start3A_788 = tpu.memref_slice %arg6[%add3A_781, %dma_start3A_787] : memref<50x128xi32, #tpu.memory_space<vmem>> -> memref<1x128xi32, #tpu.memory_space<vmem>>
      %dma_start3A_789 = tpu.memref_squeeze %dma_start3A_788 : memref<1x128xi32, #tpu.memory_space<vmem>> -> memref<128xi32, #tpu.memory_space<vmem>>
      %dma_start3A_790 = arith.constant 0 : i32
      %dma_start3A_791 = arith.constant 0 : i32
      %dma_start3A_792 = tpu.memref_slice %arg5[%dma_start3A_790, %dma_start3A_791] : memref<100x128xf32, #tpu.memory_space<vmem_shared>> -> memref<100x128xf32, #tpu.memory_space<vmem_shared>>
      tpu.enqueue_indirect_dma source(%dma_start3A_792 : memref<100x128xf32, #tpu.memory_space<vmem_shared>>) target(%dma_start3A_786 : memref<128x128xf32, #tpu.memory_space<vmem>>) offsets(%dma_start3A_789 : memref<128xi32, #tpu.memory_space<vmem>>) semaphore(%arg17 : memref<!tpu.dma_semaphore, #tpu.memory_space<semaphore_mem>>)
      %dma_wait3A_793 = arith.constant 0 : i32
      %dma_wait3A_794 = arith.constant 0 : i32
      %dma_wait3A_795 = arith.constant 0 : i32
      %dma_wait3A_796 = tpu.memref_slice %arg12[%dma_wait3A_793, %dma_wait3A_794, %dma_wait3A_795] : memref<1x128x128xf32, #tpu.memory_space<vmem>> -> memref<1x128x128xf32, #tpu.memory_space<vmem>>
      %dma_wait3A_797 = arith.constant 0 : i32
      %dma_wait3A_798 = arith.constant 0 : i32
      %dma_wait3A_799 = tpu.memref_slice %arg4[%dma_wait3A_797, %mul3A_2, %dma_wait3A_798] : memref<50x4096x128xf32, #tpu.memory_space<hbm>> -> memref<1x128x128xf32, #tpu.memory_space<hbm>>
      %dma_wait3A_800 = arith.constant 0 : i32
      %dma_wait3A_801 = arith.constant 0 : i32
      %dma_wait3A_802 = tpu.memref_slice %arg4[%dma_wait3A_800, %mul3A_2, %dma_wait3A_801] : memref<50x4096x128xf32, #tpu.memory_space<hbm>> -> memref<1x128x128xf32, #tpu.memory_space<hbm>>
      %dma_wait3A_803 = arith.constant 0 : i32
      %dma_wait3A_804 = arith.constant 0 : i32
      %dma_wait3A_805 = arith.constant 0 : i32
      %dma_wait3A_806 = tpu.memref_slice %arg12[%dma_wait3A_803, %dma_wait3A_804, %dma_wait3A_805] : memref<1x128x128xf32, #tpu.memory_space<vmem>> -> memref<1x128x128xf32, #tpu.memory_space<vmem>>
      tpu.wait_dma2 semaphore(%arg24 : memref<!tpu.dma_semaphore, #tpu.memory_space<semaphore_mem>>) src(%dma_wait3A_806 : memref<1x128x128xf32, #tpu.memory_space<vmem>>) dst(%dma_wait3A_802 : memref<1x128x128xf32, #tpu.memory_space<hbm>>)
      %add3A_807 = arith.constant 6 : i32
      %add3A_808 = arith.addi %mul3A_429, %add3A_807 : i32
      %add3A_809 = arith.constant 5 : i32
      %add3A_810 = arith.addi %add3A_808, %add3A_809 : i32
      %mul3A_811 = arith.constant 1 : i32
      %mul3A_812 = arith.muli %add3A_810, %mul3A_811 : i32
      %add3A_813 = arith.constant 0 : i32
      %add3A_814 = arith.addi %mul3A_812, %add3A_813 : i32
      %dma_start3A_815 = arith.constant 0 : i32
      %dma_start3A_816 = arith.constant 0 : i32
      %dma_start3A_817 = arith.constant 0 : i32
      %dma_start3A_818 = tpu.memref_slice %arg12[%dma_start3A_815, %dma_start3A_816, %dma_start3A_817] : memref<1x128x128xf32, #tpu.memory_space<vmem>> -> memref<1x128x128xf32, #tpu.memory_space<vmem>>
      %dma_start3A_819 = tpu.memref_squeeze %dma_start3A_818 : memref<1x128x128xf32, #tpu.memory_space<vmem>> -> memref<128x128xf32, #tpu.memory_space<vmem>>
      %dma_start3A_820 = arith.constant 0 : i32
      %dma_start3A_821 = tpu.memref_slice %arg6[%add3A_814, %dma_start3A_820] : memref<50x128xi32, #tpu.memory_space<vmem>> -> memref<1x128xi32, #tpu.memory_space<vmem>>
      %dma_start3A_822 = tpu.memref_squeeze %dma_start3A_821 : memref<1x128xi32, #tpu.memory_space<vmem>> -> memref<128xi32, #tpu.memory_space<vmem>>
      %dma_start3A_823 = arith.constant 0 : i32
      %dma_start3A_824 = arith.constant 0 : i32
      %dma_start3A_825 = tpu.memref_slice %arg5[%dma_start3A_823, %dma_start3A_824] : memref<100x128xf32, #tpu.memory_space<vmem_shared>> -> memref<100x128xf32, #tpu.memory_space<vmem_shared>>
      tpu.enqueue_indirect_dma source(%dma_start3A_825 : memref<100x128xf32, #tpu.memory_space<vmem_shared>>) target(%dma_start3A_819 : memref<128x128xf32, #tpu.memory_space<vmem>>) offsets(%dma_start3A_822 : memref<128xi32, #tpu.memory_space<vmem>>) semaphore(%arg18 : memref<!tpu.dma_semaphore, #tpu.memory_space<semaphore_mem>>)
    }
    %scan3A_79 = arith.constant 7 : i32
    %dma_wait3A = arith.constant 42 : i32
    %dma_wait3A_80 = arith.constant 0 : i32
    %dma_wait3A_81 = arith.constant 0 : i32
    %dma_wait3A_82 = arith.constant 0 : i32
    %dma_wait3A_83 = tpu.memref_slice %arg7[%dma_wait3A_80, %dma_wait3A_81, %dma_wait3A_82] : memref<1x128x128xf32, #tpu.memory_space<vmem>> -> memref<1x128x128xf32, #tpu.memory_space<vmem>>
    %dma_wait3A_84 = tpu.memref_squeeze %dma_wait3A_83 : memref<1x128x128xf32, #tpu.memory_space<vmem>> -> memref<128x128xf32, #tpu.memory_space<vmem>>
    %dma_wait3A_85 = arith.constant 0 : i32
    %dma_wait3A_86 = tpu.memref_slice %arg6[%dma_wait3A, %dma_wait3A_85] : memref<50x128xi32, #tpu.memory_space<vmem>> -> memref<1x128xi32, #tpu.memory_space<vmem>>
    %dma_wait3A_87 = tpu.memref_squeeze %dma_wait3A_86 : memref<1x128xi32, #tpu.memory_space<vmem>> -> memref<128xi32, #tpu.memory_space<vmem>>
    %dma_wait3A_88 = arith.constant 0 : i32
    %dma_wait3A_89 = arith.constant 0 : i32
    %dma_wait3A_90 = tpu.memref_slice %arg5[%dma_wait3A_88, %dma_wait3A_89] : memref<100x128xf32, #tpu.memory_space<vmem_shared>> -> memref<100x128xf32, #tpu.memory_space<vmem_shared>>
    tpu.wait_indirect_dma semaphore(%arg13 : memref<!tpu.dma_semaphore, #tpu.memory_space<semaphore_mem>>) src(%dma_wait3A_90 : memref<100x128xf32, #tpu.memory_space<vmem_shared>>) dst(%dma_wait3A_84 : memref<128x128xf32, #tpu.memory_space<vmem>>)
    %dma_start3A_91 = arith.constant 0 : i32
    %dma_start3A_92 = arith.constant 0 : i32
    %dma_start3A_93 = arith.constant 0 : i32
    %dma_start3A_94 = tpu.memref_slice %arg7[%dma_start3A_91, %dma_start3A_92, %dma_start3A_93] : memref<1x128x128xf32, #tpu.memory_space<vmem>> -> memref<1x128x128xf32, #tpu.memory_space<vmem>>
    %dma_start3A_95 = arith.constant 42 : i32
    %dma_start3A_96 = arith.constant 0 : i32
    %dma_start3A_97 = tpu.memref_slice %arg4[%dma_start3A_95, %mul3A_2, %dma_start3A_96] : memref<50x4096x128xf32, #tpu.memory_space<hbm>> -> memref<1x128x128xf32, #tpu.memory_space<hbm>>
    %dma_start3A_98 = arith.constant 42 : i32
    %dma_start3A_99 = arith.constant 0 : i32
    %dma_start3A_100 = tpu.memref_slice %arg4[%dma_start3A_98, %mul3A_2, %dma_start3A_99] : memref<50x4096x128xf32, #tpu.memory_space<hbm>> -> memref<1x128x128xf32, #tpu.memory_space<hbm>>
    %dma_start3A_101 = arith.constant 0 : i32
    %dma_start3A_102 = arith.constant 0 : i32
    %dma_start3A_103 = arith.constant 0 : i32
    %dma_start3A_104 = tpu.memref_slice %arg7[%dma_start3A_101, %dma_start3A_102, %dma_start3A_103] : memref<1x128x128xf32, #tpu.memory_space<vmem>> -> memref<1x128x128xf32, #tpu.memory_space<vmem>>
    tpu.enqueue_dma source(%dma_start3A_104 : memref<1x128x128xf32, #tpu.memory_space<vmem>>) target(%dma_start3A_100 : memref<1x128x128xf32, #tpu.memory_space<hbm>>) target_semaphore(%arg19 : memref<!tpu.dma_semaphore, #tpu.memory_space<semaphore_mem>>)
    %dma_wait3A_105 = arith.constant 43 : i32
    %dma_wait3A_106 = arith.constant 0 : i32
    %dma_wait3A_107 = arith.constant 0 : i32
    %dma_wait3A_108 = arith.constant 0 : i32
    %dma_wait3A_109 = tpu.memref_slice %arg8[%dma_wait3A_106, %dma_wait3A_107, %dma_wait3A_108] : memref<1x128x128xf32, #tpu.memory_space<vmem>> -> memref<1x128x128xf32, #tpu.memory_space<vmem>>
    %dma_wait3A_110 = tpu.memref_squeeze %dma_wait3A_109 : memref<1x128x128xf32, #tpu.memory_space<vmem>> -> memref<128x128xf32, #tpu.memory_space<vmem>>
    %dma_wait3A_111 = arith.constant 0 : i32
    %dma_wait3A_112 = tpu.memref_slice %arg6[%dma_wait3A_105, %dma_wait3A_111] : memref<50x128xi32, #tpu.memory_space<vmem>> -> memref<1x128xi32, #tpu.memory_space<vmem>>
    %dma_wait3A_113 = tpu.memref_squeeze %dma_wait3A_112 : memref<1x128xi32, #tpu.memory_space<vmem>> -> memref<128xi32, #tpu.memory_space<vmem>>
    %dma_wait3A_114 = arith.constant 0 : i32
    %dma_wait3A_115 = arith.constant 0 : i32
    %dma_wait3A_116 = tpu.memref_slice %arg5[%dma_wait3A_114, %dma_wait3A_115] : memref<100x128xf32, #tpu.memory_space<vmem_shared>> -> memref<100x128xf32, #tpu.memory_space<vmem_shared>>
    tpu.wait_indirect_dma semaphore(%arg14 : memref<!tpu.dma_semaphore, #tpu.memory_space<semaphore_mem>>) src(%dma_wait3A_116 : memref<100x128xf32, #tpu.memory_space<vmem_shared>>) dst(%dma_wait3A_110 : memref<128x128xf32, #tpu.memory_space<vmem>>)
    %dma_start3A_117 = arith.constant 0 : i32
    %dma_start3A_118 = arith.constant 0 : i32
    %dma_start3A_119 = arith.constant 0 : i32
    %dma_start3A_120 = tpu.memref_slice %arg8[%dma_start3A_117, %dma_start3A_118, %dma_start3A_119] : memref<1x128x128xf32, #tpu.memory_space<vmem>> -> memref<1x128x128xf32, #tpu.memory_space<vmem>>
    %dma_start3A_121 = arith.constant 43 : i32
    %dma_start3A_122 = arith.constant 0 : i32
    %dma_start3A_123 = tpu.memref_slice %arg4[%dma_start3A_121, %mul3A_2, %dma_start3A_122] : memref<50x4096x128xf32, #tpu.memory_space<hbm>> -> memref<1x128x128xf32, #tpu.memory_space<hbm>>
    %dma_start3A_124 = arith.constant 43 : i32
    %dma_start3A_125 = arith.constant 0 : i32
    %dma_start3A_126 = tpu.memref_slice %arg4[%dma_start3A_124, %mul3A_2, %dma_start3A_125] : memref<50x4096x128xf32, #tpu.memory_space<hbm>> -> memref<1x128x128xf32, #tpu.memory_space<hbm>>
    %dma_start3A_127 = arith.constant 0 : i32
    %dma_start3A_128 = arith.constant 0 : i32
    %dma_start3A_129 = arith.constant 0 : i32
    %dma_start3A_130 = tpu.memref_slice %arg8[%dma_start3A_127, %dma_start3A_128, %dma_start3A_129] : memref<1x128x128xf32, #tpu.memory_space<vmem>> -> memref<1x128x128xf32, #tpu.memory_space<vmem>>
    tpu.enqueue_dma source(%dma_start3A_130 : memref<1x128x128xf32, #tpu.memory_space<vmem>>) target(%dma_start3A_126 : memref<1x128x128xf32, #tpu.memory_space<hbm>>) target_semaphore(%arg20 : memref<!tpu.dma_semaphore, #tpu.memory_space<semaphore_mem>>)
    %dma_wait3A_131 = arith.constant 44 : i32
    %dma_wait3A_132 = arith.constant 0 : i32
    %dma_wait3A_133 = arith.constant 0 : i32
    %dma_wait3A_134 = arith.constant 0 : i32
    %dma_wait3A_135 = tpu.memref_slice %arg9[%dma_wait3A_132, %dma_wait3A_133, %dma_wait3A_134] : memref<1x128x128xf32, #tpu.memory_space<vmem>> -> memref<1x128x128xf32, #tpu.memory_space<vmem>>
    %dma_wait3A_136 = tpu.memref_squeeze %dma_wait3A_135 : memref<1x128x128xf32, #tpu.memory_space<vmem>> -> memref<128x128xf32, #tpu.memory_space<vmem>>
    %dma_wait3A_137 = arith.constant 0 : i32
    %dma_wait3A_138 = tpu.memref_slice %arg6[%dma_wait3A_131, %dma_wait3A_137] : memref<50x128xi32, #tpu.memory_space<vmem>> -> memref<1x128xi32, #tpu.memory_space<vmem>>
    %dma_wait3A_139 = tpu.memref_squeeze %dma_wait3A_138 : memref<1x128xi32, #tpu.memory_space<vmem>> -> memref<128xi32, #tpu.memory_space<vmem>>
    %dma_wait3A_140 = arith.constant 0 : i32
    %dma_wait3A_141 = arith.constant 0 : i32
    %dma_wait3A_142 = tpu.memref_slice %arg5[%dma_wait3A_140, %dma_wait3A_141] : memref<100x128xf32, #tpu.memory_space<vmem_shared>> -> memref<100x128xf32, #tpu.memory_space<vmem_shared>>
    tpu.wait_indirect_dma semaphore(%arg15 : memref<!tpu.dma_semaphore, #tpu.memory_space<semaphore_mem>>) src(%dma_wait3A_142 : memref<100x128xf32, #tpu.memory_space<vmem_shared>>) dst(%dma_wait3A_136 : memref<128x128xf32, #tpu.memory_space<vmem>>)
    %dma_start3A_143 = arith.constant 0 : i32
    %dma_start3A_144 = arith.constant 0 : i32
    %dma_start3A_145 = arith.constant 0 : i32
    %dma_start3A_146 = tpu.memref_slice %arg9[%dma_start3A_143, %dma_start3A_144, %dma_start3A_145] : memref<1x128x128xf32, #tpu.memory_space<vmem>> -> memref<1x128x128xf32, #tpu.memory_space<vmem>>
    %dma_start3A_147 = arith.constant 44 : i32
    %dma_start3A_148 = arith.constant 0 : i32
    %dma_start3A_149 = tpu.memref_slice %arg4[%dma_start3A_147, %mul3A_2, %dma_start3A_148] : memref<50x4096x128xf32, #tpu.memory_space<hbm>> -> memref<1x128x128xf32, #tpu.memory_space<hbm>>
    %dma_start3A_150 = arith.constant 44 : i32
    %dma_start3A_151 = arith.constant 0 : i32
    %dma_start3A_152 = tpu.memref_slice %arg4[%dma_start3A_150, %mul3A_2, %dma_start3A_151] : memref<50x4096x128xf32, #tpu.memory_space<hbm>> -> memref<1x128x128xf32, #tpu.memory_space<hbm>>
    %dma_start3A_153 = arith.constant 0 : i32
    %dma_start3A_154 = arith.constant 0 : i32
    %dma_start3A_155 = arith.constant 0 : i32
    %dma_start3A_156 = tpu.memref_slice %arg9[%dma_start3A_153, %dma_start3A_154, %dma_start3A_155] : memref<1x128x128xf32, #tpu.memory_space<vmem>> -> memref<1x128x128xf32, #tpu.memory_space<vmem>>
    tpu.enqueue_dma source(%dma_start3A_156 : memref<1x128x128xf32, #tpu.memory_space<vmem>>) target(%dma_start3A_152 : memref<1x128x128xf32, #tpu.memory_space<hbm>>) target_semaphore(%arg21 : memref<!tpu.dma_semaphore, #tpu.memory_space<semaphore_mem>>)
    %dma_wait3A_157 = arith.constant 45 : i32
    %dma_wait3A_158 = arith.constant 0 : i32
    %dma_wait3A_159 = arith.constant 0 : i32
    %dma_wait3A_160 = arith.constant 0 : i32
    %dma_wait3A_161 = tpu.memref_slice %arg10[%dma_wait3A_158, %dma_wait3A_159, %dma_wait3A_160] : memref<1x128x128xf32, #tpu.memory_space<vmem>> -> memref<1x128x128xf32, #tpu.memory_space<vmem>>
    %dma_wait3A_162 = tpu.memref_squeeze %dma_wait3A_161 : memref<1x128x128xf32, #tpu.memory_space<vmem>> -> memref<128x128xf32, #tpu.memory_space<vmem>>
    %dma_wait3A_163 = arith.constant 0 : i32
    %dma_wait3A_164 = tpu.memref_slice %arg6[%dma_wait3A_157, %dma_wait3A_163] : memref<50x128xi32, #tpu.memory_space<vmem>> -> memref<1x128xi32, #tpu.memory_space<vmem>>
    %dma_wait3A_165 = tpu.memref_squeeze %dma_wait3A_164 : memref<1x128xi32, #tpu.memory_space<vmem>> -> memref<128xi32, #tpu.memory_space<vmem>>
    %dma_wait3A_166 = arith.constant 0 : i32
    %dma_wait3A_167 = arith.constant 0 : i32
    %dma_wait3A_168 = tpu.memref_slice %arg5[%dma_wait3A_166, %dma_wait3A_167] : memref<100x128xf32, #tpu.memory_space<vmem_shared>> -> memref<100x128xf32, #tpu.memory_space<vmem_shared>>
    tpu.wait_indirect_dma semaphore(%arg16 : memref<!tpu.dma_semaphore, #tpu.memory_space<semaphore_mem>>) src(%dma_wait3A_168 : memref<100x128xf32, #tpu.memory_space<vmem_shared>>) dst(%dma_wait3A_162 : memref<128x128xf32, #tpu.memory_space<vmem>>)
    %dma_start3A_169 = arith.constant 0 : i32
    %dma_start3A_170 = arith.constant 0 : i32
    %dma_start3A_171 = arith.constant 0 : i32
    %dma_start3A_172 = tpu.memref_slice %arg10[%dma_start3A_169, %dma_start3A_170, %dma_start3A_171] : memref<1x128x128xf32, #tpu.memory_space<vmem>> -> memref<1x128x128xf32, #tpu.memory_space<vmem>>
    %dma_start3A_173 = arith.constant 45 : i32
    %dma_start3A_174 = arith.constant 0 : i32
    %dma_start3A_175 = tpu.memref_slice %arg4[%dma_start3A_173, %mul3A_2, %dma_start3A_174] : memref<50x4096x128xf32, #tpu.memory_space<hbm>> -> memref<1x128x128xf32, #tpu.memory_space<hbm>>
    %dma_start3A_176 = arith.constant 45 : i32
    %dma_start3A_177 = arith.constant 0 : i32
    %dma_start3A_178 = tpu.memref_slice %arg4[%dma_start3A_176, %mul3A_2, %dma_start3A_177] : memref<50x4096x128xf32, #tpu.memory_space<hbm>> -> memref<1x128x128xf32, #tpu.memory_space<hbm>>
    %dma_start3A_179 = arith.constant 0 : i32
    %dma_start3A_180 = arith.constant 0 : i32
    %dma_start3A_181 = arith.constant 0 : i32
    %dma_start3A_182 = tpu.memref_slice %arg10[%dma_start3A_179, %dma_start3A_180, %dma_start3A_181] : memref<1x128x128xf32, #tpu.memory_space<vmem>> -> memref<1x128x128xf32, #tpu.memory_space<vmem>>
    tpu.enqueue_dma source(%dma_start3A_182 : memref<1x128x128xf32, #tpu.memory_space<vmem>>) target(%dma_start3A_178 : memref<1x128x128xf32, #tpu.memory_space<hbm>>) target_semaphore(%arg22 : memref<!tpu.dma_semaphore, #tpu.memory_space<semaphore_mem>>)
    %dma_wait3A_183 = arith.constant 46 : i32
    %dma_wait3A_184 = arith.constant 0 : i32
    %dma_wait3A_185 = arith.constant 0 : i32
    %dma_wait3A_186 = arith.constant 0 : i32
    %dma_wait3A_187 = tpu.memref_slice %arg11[%dma_wait3A_184, %dma_wait3A_185, %dma_wait3A_186] : memref<1x128x128xf32, #tpu.memory_space<vmem>> -> memref<1x128x128xf32, #tpu.memory_space<vmem>>
    %dma_wait3A_188 = tpu.memref_squeeze %dma_wait3A_187 : memref<1x128x128xf32, #tpu.memory_space<vmem>> -> memref<128x128xf32, #tpu.memory_space<vmem>>
    %dma_wait3A_189 = arith.constant 0 : i32
    %dma_wait3A_190 = tpu.memref_slice %arg6[%dma_wait3A_183, %dma_wait3A_189] : memref<50x128xi32, #tpu.memory_space<vmem>> -> memref<1x128xi32, #tpu.memory_space<vmem>>
    %dma_wait3A_191 = tpu.memref_squeeze %dma_wait3A_190 : memref<1x128xi32, #tpu.memory_space<vmem>> -> memref<128xi32, #tpu.memory_space<vmem>>
    %dma_wait3A_192 = arith.constant 0 : i32
    %dma_wait3A_193 = arith.constant 0 : i32
    %dma_wait3A_194 = tpu.memref_slice %arg5[%dma_wait3A_192, %dma_wait3A_193] : memref<100x128xf32, #tpu.memory_space<vmem_shared>> -> memref<100x128xf32, #tpu.memory_space<vmem_shared>>
    tpu.wait_indirect_dma semaphore(%arg17 : memref<!tpu.dma_semaphore, #tpu.memory_space<semaphore_mem>>) src(%dma_wait3A_194 : memref<100x128xf32, #tpu.memory_space<vmem_shared>>) dst(%dma_wait3A_188 : memref<128x128xf32, #tpu.memory_space<vmem>>)
    %dma_start3A_195 = arith.constant 0 : i32
    %dma_start3A_196 = arith.constant 0 : i32
    %dma_start3A_197 = arith.constant 0 : i32
    %dma_start3A_198 = tpu.memref_slice %arg11[%dma_start3A_195, %dma_start3A_196, %dma_start3A_197] : memref<1x128x128xf32, #tpu.memory_space<vmem>> -> memref<1x128x128xf32, #tpu.memory_space<vmem>>
    %dma_start3A_199 = arith.constant 46 : i32
    %dma_start3A_200 = arith.constant 0 : i32
    %dma_start3A_201 = tpu.memref_slice %arg4[%dma_start3A_199, %mul3A_2, %dma_start3A_200] : memref<50x4096x128xf32, #tpu.memory_space<hbm>> -> memref<1x128x128xf32, #tpu.memory_space<hbm>>
    %dma_start3A_202 = arith.constant 46 : i32
    %dma_start3A_203 = arith.constant 0 : i32
    %dma_start3A_204 = tpu.memref_slice %arg4[%dma_start3A_202, %mul3A_2, %dma_start3A_203] : memref<50x4096x128xf32, #tpu.memory_space<hbm>> -> memref<1x128x128xf32, #tpu.memory_space<hbm>>
    %dma_start3A_205 = arith.constant 0 : i32
    %dma_start3A_206 = arith.constant 0 : i32
    %dma_start3A_207 = arith.constant 0 : i32
    %dma_start3A_208 = tpu.memref_slice %arg11[%dma_start3A_205, %dma_start3A_206, %dma_start3A_207] : memref<1x128x128xf32, #tpu.memory_space<vmem>> -> memref<1x128x128xf32, #tpu.memory_space<vmem>>
    tpu.enqueue_dma source(%dma_start3A_208 : memref<1x128x128xf32, #tpu.memory_space<vmem>>) target(%dma_start3A_204 : memref<1x128x128xf32, #tpu.memory_space<hbm>>) target_semaphore(%arg23 : memref<!tpu.dma_semaphore, #tpu.memory_space<semaphore_mem>>)
    %dma_wait3A_209 = arith.constant 47 : i32
    %dma_wait3A_210 = arith.constant 0 : i32
    %dma_wait3A_211 = arith.constant 0 : i32
    %dma_wait3A_212 = arith.constant 0 : i32
    %dma_wait3A_213 = tpu.memref_slice %arg12[%dma_wait3A_210, %dma_wait3A_211, %dma_wait3A_212] : memref<1x128x128xf32, #tpu.memory_space<vmem>> -> memref<1x128x128xf32, #tpu.memory_space<vmem>>
    %dma_wait3A_214 = tpu.memref_squeeze %dma_wait3A_213 : memref<1x128x128xf32, #tpu.memory_space<vmem>> -> memref<128x128xf32, #tpu.memory_space<vmem>>
    %dma_wait3A_215 = arith.constant 0 : i32
    %dma_wait3A_216 = tpu.memref_slice %arg6[%dma_wait3A_209, %dma_wait3A_215] : memref<50x128xi32, #tpu.memory_space<vmem>> -> memref<1x128xi32, #tpu.memory_space<vmem>>
    %dma_wait3A_217 = tpu.memref_squeeze %dma_wait3A_216 : memref<1x128xi32, #tpu.memory_space<vmem>> -> memref<128xi32, #tpu.memory_space<vmem>>
    %dma_wait3A_218 = arith.constant 0 : i32
    %dma_wait3A_219 = arith.constant 0 : i32
    %dma_wait3A_220 = tpu.memref_slice %arg5[%dma_wait3A_218, %dma_wait3A_219] : memref<100x128xf32, #tpu.memory_space<vmem_shared>> -> memref<100x128xf32, #tpu.memory_space<vmem_shared>>
    tpu.wait_indirect_dma semaphore(%arg18 : memref<!tpu.dma_semaphore, #tpu.memory_space<semaphore_mem>>) src(%dma_wait3A_220 : memref<100x128xf32, #tpu.memory_space<vmem_shared>>) dst(%dma_wait3A_214 : memref<128x128xf32, #tpu.memory_space<vmem>>)
    %dma_start3A_221 = arith.constant 0 : i32
    %dma_start3A_222 = arith.constant 0 : i32
    %dma_start3A_223 = arith.constant 0 : i32
    %dma_start3A_224 = tpu.memref_slice %arg12[%dma_start3A_221, %dma_start3A_222, %dma_start3A_223] : memref<1x128x128xf32, #tpu.memory_space<vmem>> -> memref<1x128x128xf32, #tpu.memory_space<vmem>>
    %dma_start3A_225 = arith.constant 47 : i32
    %dma_start3A_226 = arith.constant 0 : i32
    %dma_start3A_227 = tpu.memref_slice %arg4[%dma_start3A_225, %mul3A_2, %dma_start3A_226] : memref<50x4096x128xf32, #tpu.memory_space<hbm>> -> memref<1x128x128xf32, #tpu.memory_space<hbm>>
    %dma_start3A_228 = arith.constant 47 : i32
    %dma_start3A_229 = arith.constant 0 : i32
    %dma_start3A_230 = tpu.memref_slice %arg4[%dma_start3A_228, %mul3A_2, %dma_start3A_229] : memref<50x4096x128xf32, #tpu.memory_space<hbm>> -> memref<1x128x128xf32, #tpu.memory_space<hbm>>
    %dma_start3A_231 = arith.constant 0 : i32
    %dma_start3A_232 = arith.constant 0 : i32
    %dma_start3A_233 = arith.constant 0 : i32
    %dma_start3A_234 = tpu.memref_slice %arg12[%dma_start3A_231, %dma_start3A_232, %dma_start3A_233] : memref<1x128x128xf32, #tpu.memory_space<vmem>> -> memref<1x128x128xf32, #tpu.memory_space<vmem>>
    tpu.enqueue_dma source(%dma_start3A_234 : memref<1x128x128xf32, #tpu.memory_space<vmem>>) target(%dma_start3A_230 : memref<1x128x128xf32, #tpu.memory_space<hbm>>) target_semaphore(%arg24 : memref<!tpu.dma_semaphore, #tpu.memory_space<semaphore_mem>>)
    %dma_wait3A_235 = arith.constant 0 : i32
    %dma_wait3A_236 = arith.constant 0 : i32
    %dma_wait3A_237 = arith.constant 0 : i32
    %dma_wait3A_238 = tpu.memref_slice %arg7[%dma_wait3A_235, %dma_wait3A_236, %dma_wait3A_237] : memref<1x128x128xf32, #tpu.memory_space<vmem>> -> memref<1x128x128xf32, #tpu.memory_space<vmem>>
    %dma_wait3A_239 = arith.constant 0 : i32
    %dma_wait3A_240 = arith.constant 0 : i32
    %dma_wait3A_241 = tpu.memref_slice %arg4[%dma_wait3A_239, %mul3A_2, %dma_wait3A_240] : memref<50x4096x128xf32, #tpu.memory_space<hbm>> -> memref<1x128x128xf32, #tpu.memory_space<hbm>>
    %dma_wait3A_242 = arith.constant 0 : i32
    %dma_wait3A_243 = arith.constant 0 : i32
    %dma_wait3A_244 = tpu.memref_slice %arg4[%dma_wait3A_242, %mul3A_2, %dma_wait3A_243] : memref<50x4096x128xf32, #tpu.memory_space<hbm>> -> memref<1x128x128xf32, #tpu.memory_space<hbm>>
    %dma_wait3A_245 = arith.constant 0 : i32
    %dma_wait3A_246 = arith.constant 0 : i32
    %dma_wait3A_247 = arith.constant 0 : i32
    %dma_wait3A_248 = tpu.memref_slice %arg7[%dma_wait3A_245, %dma_wait3A_246, %dma_wait3A_247] : memref<1x128x128xf32, #tpu.memory_space<vmem>> -> memref<1x128x128xf32, #tpu.memory_space<vmem>>
    tpu.wait_dma2 semaphore(%arg19 : memref<!tpu.dma_semaphore, #tpu.memory_space<semaphore_mem>>) src(%dma_wait3A_248 : memref<1x128x128xf32, #tpu.memory_space<vmem>>) dst(%dma_wait3A_244 : memref<1x128x128xf32, #tpu.memory_space<hbm>>)
    %dma_start3A_249 = arith.constant 48 : i32
    %dma_start3A_250 = arith.constant 0 : i32
    %dma_start3A_251 = arith.constant 0 : i32
    %dma_start3A_252 = arith.constant 0 : i32
    %dma_start3A_253 = tpu.memref_slice %arg7[%dma_start3A_250, %dma_start3A_251, %dma_start3A_252] : memref<1x128x128xf32, #tpu.memory_space<vmem>> -> memref<1x128x128xf32, #tpu.memory_space<vmem>>
    %dma_start3A_254 = tpu.memref_squeeze %dma_start3A_253 : memref<1x128x128xf32, #tpu.memory_space<vmem>> -> memref<128x128xf32, #tpu.memory_space<vmem>>
    %dma_start3A_255 = arith.constant 0 : i32
    %dma_start3A_256 = tpu.memref_slice %arg6[%dma_start3A_249, %dma_start3A_255] : memref<50x128xi32, #tpu.memory_space<vmem>> -> memref<1x128xi32, #tpu.memory_space<vmem>>
    %dma_start3A_257 = tpu.memref_squeeze %dma_start3A_256 : memref<1x128xi32, #tpu.memory_space<vmem>> -> memref<128xi32, #tpu.memory_space<vmem>>
    %dma_start3A_258 = arith.constant 0 : i32
    %dma_start3A_259 = arith.constant 0 : i32
    %dma_start3A_260 = tpu.memref_slice %arg5[%dma_start3A_258, %dma_start3A_259] : memref<100x128xf32, #tpu.memory_space<vmem_shared>> -> memref<100x128xf32, #tpu.memory_space<vmem_shared>>
    tpu.enqueue_indirect_dma source(%dma_start3A_260 : memref<100x128xf32, #tpu.memory_space<vmem_shared>>) target(%dma_start3A_254 : memref<128x128xf32, #tpu.memory_space<vmem>>) offsets(%dma_start3A_257 : memref<128xi32, #tpu.memory_space<vmem>>) semaphore(%arg13 : memref<!tpu.dma_semaphore, #tpu.memory_space<semaphore_mem>>)
    %dma_wait3A_261 = arith.constant 0 : i32
    %dma_wait3A_262 = arith.constant 0 : i32
    %dma_wait3A_263 = arith.constant 0 : i32
    %dma_wait3A_264 = tpu.memref_slice %arg8[%dma_wait3A_261, %dma_wait3A_262, %dma_wait3A_263] : memref<1x128x128xf32, #tpu.memory_space<vmem>> -> memref<1x128x128xf32, #tpu.memory_space<vmem>>
    %dma_wait3A_265 = arith.constant 0 : i32
    %dma_wait3A_266 = arith.constant 0 : i32
    %dma_wait3A_267 = tpu.memref_slice %arg4[%dma_wait3A_265, %mul3A_2, %dma_wait3A_266] : memref<50x4096x128xf32, #tpu.memory_space<hbm>> -> memref<1x128x128xf32, #tpu.memory_space<hbm>>
    %dma_wait3A_268 = arith.constant 0 : i32
    %dma_wait3A_269 = arith.constant 0 : i32
    %dma_wait3A_270 = tpu.memref_slice %arg4[%dma_wait3A_268, %mul3A_2, %dma_wait3A_269] : memref<50x4096x128xf32, #tpu.memory_space<hbm>> -> memref<1x128x128xf32, #tpu.memory_space<hbm>>
    %dma_wait3A_271 = arith.constant 0 : i32
    %dma_wait3A_272 = arith.constant 0 : i32
    %dma_wait3A_273 = arith.constant 0 : i32
    %dma_wait3A_274 = tpu.memref_slice %arg8[%dma_wait3A_271, %dma_wait3A_272, %dma_wait3A_273] : memref<1x128x128xf32, #tpu.memory_space<vmem>> -> memref<1x128x128xf32, #tpu.memory_space<vmem>>
    tpu.wait_dma2 semaphore(%arg20 : memref<!tpu.dma_semaphore, #tpu.memory_space<semaphore_mem>>) src(%dma_wait3A_274 : memref<1x128x128xf32, #tpu.memory_space<vmem>>) dst(%dma_wait3A_270 : memref<1x128x128xf32, #tpu.memory_space<hbm>>)
    %dma_start3A_275 = arith.constant 49 : i32
    %dma_start3A_276 = arith.constant 0 : i32
    %dma_start3A_277 = arith.constant 0 : i32
    %dma_start3A_278 = arith.constant 0 : i32
    %dma_start3A_279 = tpu.memref_slice %arg8[%dma_start3A_276, %dma_start3A_277, %dma_start3A_278] : memref<1x128x128xf32, #tpu.memory_space<vmem>> -> memref<1x128x128xf32, #tpu.memory_space<vmem>>
    %dma_start3A_280 = tpu.memref_squeeze %dma_start3A_279 : memref<1x128x128xf32, #tpu.memory_space<vmem>> -> memref<128x128xf32, #tpu.memory_space<vmem>>
    %dma_start3A_281 = arith.constant 0 : i32
    %dma_start3A_282 = tpu.memref_slice %arg6[%dma_start3A_275, %dma_start3A_281] : memref<50x128xi32, #tpu.memory_space<vmem>> -> memref<1x128xi32, #tpu.memory_space<vmem>>
    %dma_start3A_283 = tpu.memref_squeeze %dma_start3A_282 : memref<1x128xi32, #tpu.memory_space<vmem>> -> memref<128xi32, #tpu.memory_space<vmem>>
    %dma_start3A_284 = arith.constant 0 : i32
    %dma_start3A_285 = arith.constant 0 : i32
    %dma_start3A_286 = tpu.memref_slice %arg5[%dma_start3A_284, %dma_start3A_285] : memref<100x128xf32, #tpu.memory_space<vmem_shared>> -> memref<100x128xf32, #tpu.memory_space<vmem_shared>>
    tpu.enqueue_indirect_dma source(%dma_start3A_286 : memref<100x128xf32, #tpu.memory_space<vmem_shared>>) target(%dma_start3A_280 : memref<128x128xf32, #tpu.memory_space<vmem>>) offsets(%dma_start3A_283 : memref<128xi32, #tpu.memory_space<vmem>>) semaphore(%arg14 : memref<!tpu.dma_semaphore, #tpu.memory_space<semaphore_mem>>)
    %dma_wait3A_287 = arith.constant 48 : i32
    %dma_wait3A_288 = arith.constant 0 : i32
    %dma_wait3A_289 = arith.constant 0 : i32
    %dma_wait3A_290 = arith.constant 0 : i32
    %dma_wait3A_291 = tpu.memref_slice %arg7[%dma_wait3A_288, %dma_wait3A_289, %dma_wait3A_290] : memref<1x128x128xf32, #tpu.memory_space<vmem>> -> memref<1x128x128xf32, #tpu.memory_space<vmem>>
    %dma_wait3A_292 = tpu.memref_squeeze %dma_wait3A_291 : memref<1x128x128xf32, #tpu.memory_space<vmem>> -> memref<128x128xf32, #tpu.memory_space<vmem>>
    %dma_wait3A_293 = arith.constant 0 : i32
    %dma_wait3A_294 = tpu.memref_slice %arg6[%dma_wait3A_287, %dma_wait3A_293] : memref<50x128xi32, #tpu.memory_space<vmem>> -> memref<1x128xi32, #tpu.memory_space<vmem>>
    %dma_wait3A_295 = tpu.memref_squeeze %dma_wait3A_294 : memref<1x128xi32, #tpu.memory_space<vmem>> -> memref<128xi32, #tpu.memory_space<vmem>>
    %dma_wait3A_296 = arith.constant 0 : i32
    %dma_wait3A_297 = arith.constant 0 : i32
    %dma_wait3A_298 = tpu.memref_slice %arg5[%dma_wait3A_296, %dma_wait3A_297] : memref<100x128xf32, #tpu.memory_space<vmem_shared>> -> memref<100x128xf32, #tpu.memory_space<vmem_shared>>
    tpu.wait_indirect_dma semaphore(%arg13 : memref<!tpu.dma_semaphore, #tpu.memory_space<semaphore_mem>>) src(%dma_wait3A_298 : memref<100x128xf32, #tpu.memory_space<vmem_shared>>) dst(%dma_wait3A_292 : memref<128x128xf32, #tpu.memory_space<vmem>>)
    %dma_start3A_299 = arith.constant 0 : i32
    %dma_start3A_300 = arith.constant 0 : i32
    %dma_start3A_301 = arith.constant 0 : i32
    %dma_start3A_302 = tpu.memref_slice %arg7[%dma_start3A_299, %dma_start3A_300, %dma_start3A_301] : memref<1x128x128xf32, #tpu.memory_space<vmem>> -> memref<1x128x128xf32, #tpu.memory_space<vmem>>
    %dma_start3A_303 = arith.constant 48 : i32
    %dma_start3A_304 = arith.constant 0 : i32
    %dma_start3A_305 = tpu.memref_slice %arg4[%dma_start3A_303, %mul3A_2, %dma_start3A_304] : memref<50x4096x128xf32, #tpu.memory_space<hbm>> -> memref<1x128x128xf32, #tpu.memory_space<hbm>>
    %dma_start3A_306 = arith.constant 48 : i32
    %dma_start3A_307 = arith.constant 0 : i32
    %dma_start3A_308 = tpu.memref_slice %arg4[%dma_start3A_306, %mul3A_2, %dma_start3A_307] : memref<50x4096x128xf32, #tpu.memory_space<hbm>> -> memref<1x128x128xf32, #tpu.memory_space<hbm>>
    %dma_start3A_309 = arith.constant 0 : i32
    %dma_start3A_310 = arith.constant 0 : i32
    %dma_start3A_311 = arith.constant 0 : i32
    %dma_start3A_312 = tpu.memref_slice %arg7[%dma_start3A_309, %dma_start3A_310, %dma_start3A_311] : memref<1x128x128xf32, #tpu.memory_space<vmem>> -> memref<1x128x128xf32, #tpu.memory_space<vmem>>
    tpu.enqueue_dma source(%dma_start3A_312 : memref<1x128x128xf32, #tpu.memory_space<vmem>>) target(%dma_start3A_308 : memref<1x128x128xf32, #tpu.memory_space<hbm>>) target_semaphore(%arg19 : memref<!tpu.dma_semaphore, #tpu.memory_space<semaphore_mem>>)
    %dma_wait3A_313 = arith.constant 49 : i32
    %dma_wait3A_314 = arith.constant 0 : i32
    %dma_wait3A_315 = arith.constant 0 : i32
    %dma_wait3A_316 = arith.constant 0 : i32
    %dma_wait3A_317 = tpu.memref_slice %arg8[%dma_wait3A_314, %dma_wait3A_315, %dma_wait3A_316] : memref<1x128x128xf32, #tpu.memory_space<vmem>> -> memref<1x128x128xf32, #tpu.memory_space<vmem>>
    %dma_wait3A_318 = tpu.memref_squeeze %dma_wait3A_317 : memref<1x128x128xf32, #tpu.memory_space<vmem>> -> memref<128x128xf32, #tpu.memory_space<vmem>>
    %dma_wait3A_319 = arith.constant 0 : i32
    %dma_wait3A_320 = tpu.memref_slice %arg6[%dma_wait3A_313, %dma_wait3A_319] : memref<50x128xi32, #tpu.memory_space<vmem>> -> memref<1x128xi32, #tpu.memory_space<vmem>>
    %dma_wait3A_321 = tpu.memref_squeeze %dma_wait3A_320 : memref<1x128xi32, #tpu.memory_space<vmem>> -> memref<128xi32, #tpu.memory_space<vmem>>
    %dma_wait3A_322 = arith.constant 0 : i32
    %dma_wait3A_323 = arith.constant 0 : i32
    %dma_wait3A_324 = tpu.memref_slice %arg5[%dma_wait3A_322, %dma_wait3A_323] : memref<100x128xf32, #tpu.memory_space<vmem_shared>> -> memref<100x128xf32, #tpu.memory_space<vmem_shared>>
    tpu.wait_indirect_dma semaphore(%arg14 : memref<!tpu.dma_semaphore, #tpu.memory_space<semaphore_mem>>) src(%dma_wait3A_324 : memref<100x128xf32, #tpu.memory_space<vmem_shared>>) dst(%dma_wait3A_318 : memref<128x128xf32, #tpu.memory_space<vmem>>)
    %dma_start3A_325 = arith.constant 0 : i32
    %dma_start3A_326 = arith.constant 0 : i32
    %dma_start3A_327 = arith.constant 0 : i32
    %dma_start3A_328 = tpu.memref_slice %arg8[%dma_start3A_325, %dma_start3A_326, %dma_start3A_327] : memref<1x128x128xf32, #tpu.memory_space<vmem>> -> memref<1x128x128xf32, #tpu.memory_space<vmem>>
    %dma_start3A_329 = arith.constant 49 : i32
    %dma_start3A_330 = arith.constant 0 : i32
    %dma_start3A_331 = tpu.memref_slice %arg4[%dma_start3A_329, %mul3A_2, %dma_start3A_330] : memref<50x4096x128xf32, #tpu.memory_space<hbm>> -> memref<1x128x128xf32, #tpu.memory_space<hbm>>
    %dma_start3A_332 = arith.constant 49 : i32
    %dma_start3A_333 = arith.constant 0 : i32
    %dma_start3A_334 = tpu.memref_slice %arg4[%dma_start3A_332, %mul3A_2, %dma_start3A_333] : memref<50x4096x128xf32, #tpu.memory_space<hbm>> -> memref<1x128x128xf32, #tpu.memory_space<hbm>>
    %dma_start3A_335 = arith.constant 0 : i32
    %dma_start3A_336 = arith.constant 0 : i32
    %dma_start3A_337 = arith.constant 0 : i32
    %dma_start3A_338 = tpu.memref_slice %arg8[%dma_start3A_335, %dma_start3A_336, %dma_start3A_337] : memref<1x128x128xf32, #tpu.memory_space<vmem>> -> memref<1x128x128xf32, #tpu.memory_space<vmem>>
    tpu.enqueue_dma source(%dma_start3A_338 : memref<1x128x128xf32, #tpu.memory_space<vmem>>) target(%dma_start3A_334 : memref<1x128x128xf32, #tpu.memory_space<hbm>>) target_semaphore(%arg20 : memref<!tpu.dma_semaphore, #tpu.memory_space<semaphore_mem>>)
    %dma_wait3A_339 = arith.constant 0 : i32
    %dma_wait3A_340 = arith.constant 0 : i32
    %dma_wait3A_341 = arith.constant 0 : i32
    %dma_wait3A_342 = tpu.memref_slice %arg7[%dma_wait3A_339, %dma_wait3A_340, %dma_wait3A_341] : memref<1x128x128xf32, #tpu.memory_space<vmem>> -> memref<1x128x128xf32, #tpu.memory_space<vmem>>
    %dma_wait3A_343 = arith.constant 0 : i32
    %dma_wait3A_344 = arith.constant 0 : i32
    %dma_wait3A_345 = tpu.memref_slice %arg4[%dma_wait3A_343, %mul3A_2, %dma_wait3A_344] : memref<50x4096x128xf32, #tpu.memory_space<hbm>> -> memref<1x128x128xf32, #tpu.memory_space<hbm>>
    %dma_wait3A_346 = arith.constant 0 : i32
    %dma_wait3A_347 = arith.constant 0 : i32
    %dma_wait3A_348 = tpu.memref_slice %arg4[%dma_wait3A_346, %mul3A_2, %dma_wait3A_347] : memref<50x4096x128xf32, #tpu.memory_space<hbm>> -> memref<1x128x128xf32, #tpu.memory_space<hbm>>
    %dma_wait3A_349 = arith.constant 0 : i32
    %dma_wait3A_350 = arith.constant 0 : i32
    %dma_wait3A_351 = arith.constant 0 : i32
    %dma_wait3A_352 = tpu.memref_slice %arg7[%dma_wait3A_349, %dma_wait3A_350, %dma_wait3A_351] : memref<1x128x128xf32, #tpu.memory_space<vmem>> -> memref<1x128x128xf32, #tpu.memory_space<vmem>>
    tpu.wait_dma2 semaphore(%arg19 : memref<!tpu.dma_semaphore, #tpu.memory_space<semaphore_mem>>) src(%dma_wait3A_352 : memref<1x128x128xf32, #tpu.memory_space<vmem>>) dst(%dma_wait3A_348 : memref<1x128x128xf32, #tpu.memory_space<hbm>>)
    %dma_wait3A_353 = arith.constant 0 : i32
    %dma_wait3A_354 = arith.constant 0 : i32
    %dma_wait3A_355 = arith.constant 0 : i32
    %dma_wait3A_356 = tpu.memref_slice %arg8[%dma_wait3A_353, %dma_wait3A_354, %dma_wait3A_355] : memref<1x128x128xf32, #tpu.memory_space<vmem>> -> memref<1x128x128xf32, #tpu.memory_space<vmem>>
    %dma_wait3A_357 = arith.constant 0 : i32
    %dma_wait3A_358 = arith.constant 0 : i32
    %dma_wait3A_359 = tpu.memref_slice %arg4[%dma_wait3A_357, %mul3A_2, %dma_wait3A_358] : memref<50x4096x128xf32, #tpu.memory_space<hbm>> -> memref<1x128x128xf32, #tpu.memory_space<hbm>>
    %dma_wait3A_360 = arith.constant 0 : i32
    %dma_wait3A_361 = arith.constant 0 : i32
    %dma_wait3A_362 = tpu.memref_slice %arg4[%dma_wait3A_360, %mul3A_2, %dma_wait3A_361] : memref<50x4096x128xf32, #tpu.memory_space<hbm>> -> memref<1x128x128xf32, #tpu.memory_space<hbm>>
    %dma_wait3A_363 = arith.constant 0 : i32
    %dma_wait3A_364 = arith.constant 0 : i32
    %dma_wait3A_365 = arith.constant 0 : i32
    %dma_wait3A_366 = tpu.memref_slice %arg8[%dma_wait3A_363, %dma_wait3A_364, %dma_wait3A_365] : memref<1x128x128xf32, #tpu.memory_space<vmem>> -> memref<1x128x128xf32, #tpu.memory_space<vmem>>
    tpu.wait_dma2 semaphore(%arg20 : memref<!tpu.dma_semaphore, #tpu.memory_space<semaphore_mem>>) src(%dma_wait3A_366 : memref<1x128x128xf32, #tpu.memory_space<vmem>>) dst(%dma_wait3A_362 : memref<1x128x128xf32, #tpu.memory_space<hbm>>)
    %dma_wait3A_367 = arith.constant 0 : i32
    %dma_wait3A_368 = arith.constant 0 : i32
    %dma_wait3A_369 = arith.constant 0 : i32
    %dma_wait3A_370 = tpu.memref_slice %arg9[%dma_wait3A_367, %dma_wait3A_368, %dma_wait3A_369] : memref<1x128x128xf32, #tpu.memory_space<vmem>> -> memref<1x128x128xf32, #tpu.memory_space<vmem>>
    %dma_wait3A_371 = arith.constant 0 : i32
    %dma_wait3A_372 = arith.constant 0 : i32
    %dma_wait3A_373 = tpu.memref_slice %arg4[%dma_wait3A_371, %mul3A_2, %dma_wait3A_372] : memref<50x4096x128xf32, #tpu.memory_space<hbm>> -> memref<1x128x128xf32, #tpu.memory_space<hbm>>
    %dma_wait3A_374 = arith.constant 0 : i32
    %dma_wait3A_375 = arith.constant 0 : i32
    %dma_wait3A_376 = tpu.memref_slice %arg4[%dma_wait3A_374, %mul3A_2, %dma_wait3A_375] : memref<50x4096x128xf32, #tpu.memory_space<hbm>> -> memref<1x128x128xf32, #tpu.memory_space<hbm>>
    %dma_wait3A_377 = arith.constant 0 : i32
    %dma_wait3A_378 = arith.constant 0 : i32
    %dma_wait3A_379 = arith.constant 0 : i32
    %dma_wait3A_380 = tpu.memref_slice %arg9[%dma_wait3A_377, %dma_wait3A_378, %dma_wait3A_379] : memref<1x128x128xf32, #tpu.memory_space<vmem>> -> memref<1x128x128xf32, #tpu.memory_space<vmem>>
    tpu.wait_dma2 semaphore(%arg21 : memref<!tpu.dma_semaphore, #tpu.memory_space<semaphore_mem>>) src(%dma_wait3A_380 : memref<1x128x128xf32, #tpu.memory_space<vmem>>) dst(%dma_wait3A_376 : memref<1x128x128xf32, #tpu.memory_space<hbm>>)
    %dma_wait3A_381 = arith.constant 0 : i32
    %dma_wait3A_382 = arith.constant 0 : i32
    %dma_wait3A_383 = arith.constant 0 : i32
    %dma_wait3A_384 = tpu.memref_slice %arg10[%dma_wait3A_381, %dma_wait3A_382, %dma_wait3A_383] : memref<1x128x128xf32, #tpu.memory_space<vmem>> -> memref<1x128x128xf32, #tpu.memory_space<vmem>>
    %dma_wait3A_385 = arith.constant 0 : i32
    %dma_wait3A_386 = arith.constant 0 : i32
    %dma_wait3A_387 = tpu.memref_slice %arg4[%dma_wait3A_385, %mul3A_2, %dma_wait3A_386] : memref<50x4096x128xf32, #tpu.memory_space<hbm>> -> memref<1x128x128xf32, #tpu.memory_space<hbm>>
    %dma_wait3A_388 = arith.constant 0 : i32
    %dma_wait3A_389 = arith.constant 0 : i32
    %dma_wait3A_390 = tpu.memref_slice %arg4[%dma_wait3A_388, %mul3A_2, %dma_wait3A_389] : memref<50x4096x128xf32, #tpu.memory_space<hbm>> -> memref<1x128x128xf32, #tpu.memory_space<hbm>>
    %dma_wait3A_391 = arith.constant 0 : i32
    %dma_wait3A_392 = arith.constant 0 : i32
    %dma_wait3A_393 = arith.constant 0 : i32
    %dma_wait3A_394 = tpu.memref_slice %arg10[%dma_wait3A_391, %dma_wait3A_392, %dma_wait3A_393] : memref<1x128x128xf32, #tpu.memory_space<vmem>> -> memref<1x128x128xf32, #tpu.memory_space<vmem>>
    tpu.wait_dma2 semaphore(%arg22 : memref<!tpu.dma_semaphore, #tpu.memory_space<semaphore_mem>>) src(%dma_wait3A_394 : memref<1x128x128xf32, #tpu.memory_space<vmem>>) dst(%dma_wait3A_390 : memref<1x128x128xf32, #tpu.memory_space<hbm>>)
    %dma_wait3A_395 = arith.constant 0 : i32
    %dma_wait3A_396 = arith.constant 0 : i32
    %dma_wait3A_397 = arith.constant 0 : i32
    %dma_wait3A_398 = tpu.memref_slice %arg11[%dma_wait3A_395, %dma_wait3A_396, %dma_wait3A_397] : memref<1x128x128xf32, #tpu.memory_space<vmem>> -> memref<1x128x128xf32, #tpu.memory_space<vmem>>
    %dma_wait3A_399 = arith.constant 0 : i32
    %dma_wait3A_400 = arith.constant 0 : i32
    %dma_wait3A_401 = tpu.memref_slice %arg4[%dma_wait3A_399, %mul3A_2, %dma_wait3A_400] : memref<50x4096x128xf32, #tpu.memory_space<hbm>> -> memref<1x128x128xf32, #tpu.memory_space<hbm>>
    %dma_wait3A_402 = arith.constant 0 : i32
    %dma_wait3A_403 = arith.constant 0 : i32
    %dma_wait3A_404 = tpu.memref_slice %arg4[%dma_wait3A_402, %mul3A_2, %dma_wait3A_403] : memref<50x4096x128xf32, #tpu.memory_space<hbm>> -> memref<1x128x128xf32, #tpu.memory_space<hbm>>
    %dma_wait3A_405 = arith.constant 0 : i32
    %dma_wait3A_406 = arith.constant 0 : i32
    %dma_wait3A_407 = arith.constant 0 : i32
    %dma_wait3A_408 = tpu.memref_slice %arg11[%dma_wait3A_405, %dma_wait3A_406, %dma_wait3A_407] : memref<1x128x128xf32, #tpu.memory_space<vmem>> -> memref<1x128x128xf32, #tpu.memory_space<vmem>>
    tpu.wait_dma2 semaphore(%arg23 : memref<!tpu.dma_semaphore, #tpu.memory_space<semaphore_mem>>) src(%dma_wait3A_408 : memref<1x128x128xf32, #tpu.memory_space<vmem>>) dst(%dma_wait3A_404 : memref<1x128x128xf32, #tpu.memory_space<hbm>>)
    %dma_wait3A_409 = arith.constant 0 : i32
    %dma_wait3A_410 = arith.constant 0 : i32
    %dma_wait3A_411 = arith.constant 0 : i32
    %dma_wait3A_412 = tpu.memref_slice %arg12[%dma_wait3A_409, %dma_wait3A_410, %dma_wait3A_411] : memref<1x128x128xf32, #tpu.memory_space<vmem>> -> memref<1x128x128xf32, #tpu.memory_space<vmem>>
    %dma_wait3A_413 = arith.constant 0 : i32
    %dma_wait3A_414 = arith.constant 0 : i32
    %dma_wait3A_415 = tpu.memref_slice %arg4[%dma_wait3A_413, %mul3A_2, %dma_wait3A_414] : memref<50x4096x128xf32, #tpu.memory_space<hbm>> -> memref<1x128x128xf32, #tpu.memory_space<hbm>>
    %dma_wait3A_416 = arith.constant 0 : i32
    %dma_wait3A_417 = arith.constant 0 : i32
    %dma_wait3A_418 = tpu.memref_slice %arg4[%dma_wait3A_416, %mul3A_2, %dma_wait3A_417] : memref<50x4096x128xf32, #tpu.memory_space<hbm>> -> memref<1x128x128xf32, #tpu.memory_space<hbm>>
    %dma_wait3A_419 = arith.constant 0 : i32
    %dma_wait3A_420 = arith.constant 0 : i32
    %dma_wait3A_421 = arith.constant 0 : i32
    %dma_wait3A_422 = tpu.memref_slice %arg12[%dma_wait3A_419, %dma_wait3A_420, %dma_wait3A_421] : memref<1x128x128xf32, #tpu.memory_space<vmem>> -> memref<1x128x128xf32, #tpu.memory_space<vmem>>
    tpu.wait_dma2 semaphore(%arg24 : memref<!tpu.dma_semaphore, #tpu.memory_space<semaphore_mem>>) src(%dma_wait3A_422 : memref<1x128x128xf32, #tpu.memory_space<vmem>>) dst(%dma_wait3A_418 : memref<1x128x128xf32, #tpu.memory_space<hbm>>)
    return
  }
}

</mosaic_0001>

<sc_bundles>
// kernel: kernel.3.cloned.1.call-start
scs
__scs_entry_jumppad:
0x0: {  	(pc) =	sbr.rel $0x88, $3  }
0x1: {  	(tag) =	ssettag $0x0;
	lr =	simm.s32 $0x1  }
0x2: {  	[smem:$0x3F9F] =	sst lr;
	_ =	strace $0xD0000000  }
0x3: {  	_ = 	snop  }
0x4: {  	_ = 	snop  }
0x5: {  	_ = 	snop  }
0x6: {  	_ = 	snop  }
0x7: {  	_ = 	snop  }
__scs_overlays_trampoline_lowered:
0x8: {  	[smem:$0x3FAE] =	sst s0  }
0x9: {  	[smem:$0x3FAF] =	sst s1  }
0xa: {  	[smem:$0x3FB0] =	sst s2  }
0xb: {  	[smem:$0x3FB1] =	sst s3  }
0xc: {  	[smem:$0x3FB2] =	sst s4  }
0xd: {  	[smem:$0x3FB3] =	sst s5  }
0xe: {  	[smem:$0x3FB4] =	sst s6  }
0xf: {  	[smem:$0x3FB5] =	sst s7  }
0x10: {  	[smem:$0x3FB6] =	sst s8  }
0x11: {  	[smem:$0x3FB7] =	sst s9;
	s0 =	simm.s32 @!p0 $0x0  }
0x12: {  	s1 =	sld [smem:$0x3F9D];
	s0 =	simm.s32 @p0 $0x1  }
0x13: {  	[smem:$0x3FB8] =	sst s0;
	s0 =	simm.s32 @!p1 $0x0  }
0x14: {  	s2 =	sld [smem:$0x3F9C];
	s0 =	simm.s32 @p1 $0x1  }
0x15: {  	[smem:$0x3FB9] =	sst s0;
	s0 =	simm.s32 @!p2 $0x0  }
0x16: {  	s3 =	sld [smem:$0x3FDB];
	s0 =	simm.s32 @p2 $0x1  }
0x17: {  	s4 =	simm.s32 $0x1BF5;
	[smem:$0x3FBB] =	sst s0  }
0x18: {  	s0 =	sld [smem:$0x3F9E];
	_ =	swait.ge [sflag:s4], $0x0  }
0x19: {  	s7 =	sld [smem:$0x3F9F]  }
0x1a: {  	s8 =	sadd.s32 $0xFFFFE003, lr  }
0x1b: {  	s9 =	sadd.s32 $0xFFFFFEF7, lr;
	s5 =	simm.s32 $0xFFFFFFFF;
	p2 =	slt.u32 s8, $0xFFFFF086  }
0x1c: {  	p1 =	slt.u32 s9, $0xF7A;
	s5 =	simm.s32 @!p2 $0x0  }
0x1d: {  	s5 =	simm.s32 @p1 $0x1;
	p0 =	seq.s32 s7, s2  }
0x1e: {  	s7 =	smul.u32 @!p0 $0xF7A, s2;
	p2 =	seq.s32 @!p0 s5, $0x0  }
0x1f: {  	s9 =	smul.u32 $0xF7A, s1;
	s8 =	simm.s32 @!p0 $0x1BF5;
	p2 =	por !p2, p0  }
0x20: {  	[sflag:s8] =	ssyncset.s32 @!p0 $0xFFFFF086;
	s6 =	sadd.s32 @!p0 s3, s7;
	s7 =	simm.s32 @!p0 $0x108  }
0x21: {  	s3 =	sadd.s32 s3, s9;
	s6 =	sadd.s32 @!p0 $0x88, s6;
	s7 =	simm.s32 @p2 $0x1082  }
0x22: {  	[simem:s7], [sflag:s8] =	dma.local @!p0 [hbm:s6], $0xF7A  }
0x23: {  	s9 =	sor.u32 $0xD0000000, s2;
	s6 =	simm.s32 $0x108;
	_ =	swait.ge @!p0 [sflag:s8], $0x0  }
0x24: {  	s3 =	sadd.s32 $0x88, s3;
	s6 =	simm.s32 @!p1 $0x1082;
	[sflag:s4] =	ssyncset.s32 $0xFFFFF086  }
0x25: {  	[simem:s6], [sflag:s4] =	dma.local [hbm:s3], $0xF7A  }
0x26: {  	[smem:$0x3F9F] =	sst s1;
	(tag) =	ssettag s2;
	_ =	strace s9  }
0x27: {  	s1 =	sld [smem:$0x3FAF]  }
0x28: {  	s2 =	sld [smem:$0x3FB0]  }
0x29: {  	s4 =	sld [smem:$0x3FB2]  }
0x2a: {  	p0 =	seq.s32 s5, $0x0;
	s5 =	sld [smem:$0x3FB3]  }
0x2b: {  	s6 =	sld [smem:$0x3FB4]  }
0x2c: {  	s7 =	sld [smem:$0x3FB5]  }
0x2d: {  	s3 =	simm.s32 $0x108;
	s8 =	sld [smem:$0x3FB6]  }
0x2e: {  	s3 =	simm.s32 @!p0 $0x1082;
	s9 =	sld [smem:$0x3FB7]  }
0x2f: {  	lr =	sadd.s32 s0, s3;
	s0 =	sld [smem:$0x3FAE]  }
0x30: {  	s3 =	sld [smem:$0x3FB1]  }
0x31: {  	[smem:$0x3FBA] =	sst s10  }
0x32: {  	s10 =	sld [smem:$0x3FB8];
	_ =	sdelay $0x3  }
0x33: {  	p0 =	seq.s32 s10, $0x1;
	s10 =	sld [smem:$0x3FBA];
	_ =	sdelay $0x3  }
0x34: {  	[smem:$0x3FBA] =	sst s10  }
0x35: {  	s10 =	sld [smem:$0x3FB9];
	_ =	sdelay $0x3  }
0x36: {  	p1 =	seq.s32 s10, $0x1;
	s10 =	sld [smem:$0x3FBA];
	_ =	sdelay $0x3  }
0x37: {  	[smem:$0x3FBA] =	sst s10  }
0x38: {  	s10 =	sld [smem:$0x3FBB]  }
0x39: {  	_ = 	snop;
	(pc) =	sbr.ind lr, $3  }
0x3a: {  	_ = 	snop  }
0x3b: {  	_ = 	snop  }
0x3c: {  	p2 =	seq.s32 s10, $0x1;
	s10 =	sld [smem:$0x3FBA]  }
0x3d: {  	_ =	shalt  }
0x3e: {  	_ =	shalt  }
0x3f: {  	_ =	shalt  }
0x40: {  	_ =	shalt  }
0x41: {  	_ =	shalt  }
0x42: {  	_ =	shalt  }
0x43: {  	_ =	shalt  }
0x44: {  	_ =	shalt  }
0x45: {  	_ =	shalt  }
0x46: {  	_ =	shalt  }
0x47: {  	_ =	shalt  }
0x48: {  	_ =	shalt  }
0x49: {  	_ =	shalt  }
0x4a: {  	_ =	shalt  }
0x4b: {  	_ =	shalt  }
0x4c: {  	_ =	shalt  }
0x4d: {  	_ =	shalt  }
0x4e: {  	_ =	shalt  }
0x4f: {  	_ =	shalt  }
0x50: {  	_ =	shalt  }
0x51: {  	_ =	shalt  }
0x52: {  	_ =	shalt  }
0x53: {  	_ =	shalt  }
0x54: {  	_ =	shalt  }
0x55: {  	_ =	shalt  }
0x56: {  	_ =	shalt  }
0x57: {  	_ =	shalt  }
0x58: {  	_ =	shalt  }
0x59: {  	_ =	shalt  }
0x5a: {  	_ =	shalt  }
0x5b: {  	_ =	shalt  }
0x5c: {  	_ =	shalt  }
0x5d: {  	_ =	shalt  }
0x5e: {  	_ =	shalt  }
0x5f: {  	_ =	shalt  }
0x60: {  	_ =	shalt  }
0x61: {  	_ =	shalt  }
0x62: {  	_ =	shalt  }
0x63: {  	_ =	shalt  }
0x64: {  	_ =	shalt  }
0x65: {  	_ =	shalt  }
0x66: {  	_ =	shalt  }
0x67: {  	_ =	shalt  }
0x68: {  	_ =	shalt  }
0x69: {  	_ =	shalt  }
0x6a: {  	_ =	shalt  }
0x6b: {  	_ =	shalt  }
0x6c: {  	_ =	shalt  }
0x6d: {  	_ =	shalt  }
0x6e: {  	_ =	shalt  }
0x6f: {  	_ =	shalt  }
0x70: {  	_ =	shalt  }
0x71: {  	_ =	shalt  }
0x72: {  	_ =	shalt  }
0x73: {  	_ =	shalt  }
0x74: {  	_ =	shalt  }
0x75: {  	_ =	shalt  }
0x76: {  	_ =	shalt  }
0x77: {  	_ =	shalt  }
0x78: {  	_ =	shalt  }
0x79: {  	_ =	shalt  }
0x7a: {  	_ =	shalt  }
0x7b: {  	_ =	shalt  }
0x7c: {  	_ =	shalt  }
0x7d: {  	_ =	shalt  }
0x7e: {  	_ =	shalt  }
0x7f: {  	_ =	shalt  }
0x80: {  	_ =	shalt  }
0x81: {  	_ =	shalt  }
0x82: {  	_ =	shalt  }
0x83: {  	_ =	shalt  }
0x84: {  	_ =	shalt  }
0x85: {  	_ =	shalt  }
0x86: {  	_ =	shalt  }
0x87: {  	_ =	shalt  }
.Lfunc_end0:
.L_simem_size_0:
called_computation_lowered:
.L_overlay_start_0:
0x88: {  	s2 =	sld [smem:$0x3FD9]  }
0x89: {  	s3 =	sld [smem:$0x3FFE];
	_ =	sdelay $0x1  }
0x8a: {  	s1 =	srdreg.scid  }
0x8b: {  	s0 =	sand.u32 $0x1, s1  }
0x8c: {  	s18 =	sshll.u32 s0, $0xA;
	s2 =	sadd.s32 s3, s2  }
0x8d: {  	s2 =	sadd.s32 s2, s18  }
0x8e: {  	[smem:$0x3FC6] =	sst s2  }
0x8f: {  	_ = 	snop  }
0x90: {  	s2 =	sld [smem:$0x3FC9]  }
0x91: {  	s19 =	sld [smem:$0x3FC8]  }
0x92: {  	s4 =	sld [smem:$0x3FD0];
	(tm) =	ssettm $0x1  }
0x93: {  	s5 =	sld [smem:$0x3FFB];
	_ =	sdelay $0x3  }
0x94: {  	_ =	strace s5  }
0x95: {  	s5 =	sld [smem:$0x3FFC];
	_ =	sdelay $0x3  }
0x96: {  	_ =	strace s5  }
0x97: {  	s5 =	sld [smem:$0x3FFD];
	_ =	sdelay $0x3  }
0x98: {  	_ =	strace s5  }
0x99: {  	_ =	strace $0x8FFFFFFF  }
0x9a: {  	s20 =	sld [smem:$0x3FDB];
	_ =	sdelay $0x1  }
0x9b: {  	s6 =	simm.s32 $_scs_section_size  }
0x9c: {  	s7 =	simm.s32 $_size__tile_overlayer_lowered;
	s8 =	simm.s32 $_tile_overlayer_lowered  }
0x9d: {  	s23 =	simm.s32 $0x1BFF;
	s22 =	sshll.u32 s8, $0x1;
	s5 =	sadd.s32 s6, s20  }
0x9e: {  	s9 =	simm.s32 $0x0;
	s21 =	sshll.u32 s7, $0x1;
	s7 =	sadd.s32 s22, s5  }
0x9f: {  	[timem:s9], [sflag:s23] =	dma.local [hbm:s7], s21  }
0xa0: {  	_ =	swait.ge [sflag:s23], s21  }
0xa1: {  	s6 =	ssub.s32 $0x0, s21;
	[sflag:s23] =	ssyncset.done $0x0  }
0xa2: {  	[sflag:s23] =	ssyncadd.s32 s6;
	_ =	sdelay $0x1  }
0xa3: {  	s24 =	simm.s32 $0x1B8B  }
0xa4: {  	_ =	swait.ge [sflag:s24], $0x1  }
0xa5: {  	[sflag:s24] =	ssyncset.done $0x0  }
0xa6: {  	s25 =	simm.s32 $0x1B8E;
	[sflag:s24] =	ssyncadd.s32 $0xFFFFFFFF  }
0xa7: {  	s26 =	simm.s32 $execute0_lowered;
	[smem:$0x3FD2] =	sst s25  }
0xa8: {  	s6 =	sshll.u32 s26, $0x1;
	_ =	strace $0x80000046;
	[dreg:$0x1] =	wrdreg $0xFFFFFFFF  }
0xa9: {  	s28 =	simm.s32 $_size_execute0_lowered;
	s5 =	sadd.s32 s5, s6;
	[dreg:$0x0] =	wrdreg $0x0  }
0xaa: {  	s6 =	sshll.u32 s28, $0x1;
	[dreg:$0x2] =	wrdreg s5  }
0xab: {  	[dreg:$0x3] =	wrdreg s6  }
0xac: {  	[dreg:$0x4] =	wrdreg $0xC0  }
0xad: {  	_ =	task [dreg:s9], $0x5FFFF  }
0xae: {  	[dreg:$0x1] =	wrdreg $0xFFFFFFFF  }
0xaf: {  	[dreg:$0x0] =	wrdreg $0x60  }
0xb0: {  	[dreg:$0x2] =	wrdreg s2  }
0xb1: {  	[dreg:$0x3] =	wrdreg s19  }
0xb2: {  	[dreg:$0x4] =	wrdreg s4  }
0xb3: {  	[dreg:$0x5] =	wrdreg $0x0  }
0xb4: {  	[dreg:$0x6] =	wrdreg $0x9  }
0xb5: {  	_ =	task.clear_ibuf [dreg:s9], $0x7FFFF;
	_ =	strace $0x90000046  }
0xb6: {  	s29 =	simm.s32 $0x9;
	_ =	strace $0x80000048  }
0xb7: {  	_ =	swait.ge [sflag:s29], $0x1  }
0xb8: {  	[sflag:s29] =	ssyncadd.s32 $0xFFFFFFFF  }
0xb9: {  	_ =	strace $0x90000048  }
0xba: {  	_ =	sfence  }
0xbb: {  	s30 =	sld [smem:$0x0];
	_ =	sdelay $0x2  }
0xbc: {  	s31 =	sshll.u32 s1, $0xD;
	s1 =	sshrl.u32 s1, $0x2  }
0xbd: {  	s3 =	sand.u32 $0x4000, s31;
	s1 =	sadd.s32 s1, s30  }
0xbe: {  	s0 =	sor.u32 s3, s0;
	s1 =	sshll.u32 s1, $0x11  }
0xbf: {  	s0 =	sor.u32 s1, s0  }
0xc0: {  	s0 =	sadd.s32 $0x8F2B, s0  }
0xc1: {  	[sflag:s0] =	ssyncadd.remote.s32 $0x1  }
0xc2: {  	_ =	sfence.sel $0xFFFF  }
0xc3: {  	[dreg:$0x0] =	wrdreg $0xFFFFFFFF;
	(pc) =	sbr.abs _section_cstart, $3  }
0xc4: {  	[dreg:$0x1] =	wrdreg $0xFFFFFFFF  }
0xc5: {  	_ =	task.clear_ibuf [dreg:s9], $0x2FFFF;
	_ =	strace $0x9FFFFFFF  }
0xc6: {  	(tm) =	ssettm $0x7FFFFFFF  }
0xc7: {  	_ =	shalt  }
tec
execute0_lowered:
.L_overlay_start_1:
0x0: {  	(tag) =	ssettag $0x1  }
0x1: {  	s0 =	rddreg [dreg:$0x0]  }
0x2: {  	s2 =	rddreg [dreg:$0x2]  }
0x3: {  	s3 =	rddreg [dreg:$0x3];
	s1 =	srdreg.scid  }
0x4: {  	s5 =	stileid.u32;
	s4 =	simm.s32 $0x0;
	s28 =	simm.s32 $0x9F20  }
0x5: {  	s30 =	simm.s32 $0xDF20;
	s29 =	simm.s32 $0x4;
	s31 =	simm.s32 $0x5  }
0x6: {  	s1 =	sand.u32 $0x1, s1;
	s6 =	sshll.u32 s5, $0x8;
	[smem:$0x7FF] =	sst s4  }
0x7: {  	s12 =	sshll.u32 s5, $0xF;
	p0 =	sne.s32 s5, $0x0;
	s5 =	simm.s32 $0xC  }
0x8: {  	s7 =	sshll.u32 s1, $0x7;
	s8 =	ssub.s32 $0x2, s1;
	_ =	strace $0x80000047  }
0x9: {  	s1 =	sshll.u32 s1, $0xE;
	s6 =	sor.u32 s7, s6;
	s25 =	sshrl.u32 s8, $0x1  }
0xa: {  	s1 =	sor.u32 s1, s12;
	s9 =	sshll.u32 s6, $0x4;
	s7 =	ssub.s32 s8, s25  }
0xb: {  	s10 =	sadd.s32 s0, s6;
	s17 =	sor.u32 $0x280000, s1;
	s19 =	sor.u32 $0x200000, s1  }
0xc: {  	s21 =	sor.u32 $0x180000, s1;
	s23 =	sor.u32 $0x100000, s1;
	s25 =	sshrl.u32 s1, $0x3  }
0xd: {  	s1 =	simm.s32 $0x6;
	s6 =	sshrl.u32 s17, $0x3;
	[dreg:$0x9] =	wrdreg s25  }
0xe: {  	s8 =	simm.s32 $0x9;
	s20 =	sshrl.u32 s19, $0x3;
	[dreg:$0x5] =	wrdreg s6  }
0xf: {  	s26 =	sadd.s32 s9, s2;
	s22 =	sshrl.u32 s21, $0x3;
	[dreg:$0x6] =	wrdreg s20  }
0x10: {  	s24 =	sshrl.u32 s23, $0x3;
	s19 =	sadd.s32 $0x6000, s10;
	[dreg:$0x7] =	wrdreg s22  }
0x11: {  	s21 =	simm.s32 $0xD;
	s11 =	sadd.s32 $0x2A0000, s26;
	[dreg:$0x8] =	wrdreg s24  }
0x12: {  	s23 =	simm.s32 $0x1F20;
	s13 =	sadd.s32 $0x2B0000, s26;
	[dreg:$0xa] =	wrdreg s11  }
0x13: {  	s25 =	simm.s32 $0x5F20;
	s14 =	sadd.s32 $0x2C0000, s26;
	[dreg:$0xb] =	wrdreg s13  }
0x14: {  	s17 =	simm.s32 $0x1;
	s15 =	sadd.s32 $0x2D0000, s26;
	[dreg:$0xc] =	wrdreg s14  }
0x15: {  	s16 =	sadd.s32 $0x2E0000, s26;
	s18 =	sadd.s32 $0x2F0000, s26;
	[dreg:$0xd] =	wrdreg s15  }
0x16: {  	s9 =	sadd.s32 $0x300000, s26;
	s0 =	sadd.s32 $0x310000, s26;
	[dreg:$0xe] =	wrdreg s16  }
0x17: {  	s26 =	smax.u32 s7, $0x1;
	s20 =	smov.u32 s10;
	[dreg:$0xf] =	wrdreg s18  }
0x18: {  	s22 =	simm.s32 $0x80;
	s24 =	simm.s32 $0x2;
	[dreg:$0x10] =	wrdreg s9  }
0x19: {  	s6 =	simm.s32 $0x7;
	s7 =	simm.s32 $0x8;
	[dreg:$0x11] =	wrdreg s0  }
0x1a: {  	s10 =	simm.s32 $0xB;
	[dreg:$0x12] =	wrdreg s26;
	s15 =	sshrl.u32 @!p0 s3, $0x3  }
0x1b: {  	s18 =	simm.s32 $0x1B20;
	s0 =	simm.s32 $0x11F20;
	s16 =	simm.s32 $0x15F20  }
0x1c: {  	s26 =	simm.s32 $0x3;
	s9 =	simm.s32 $0xA;
	s11 =	simm.s32 $0x0  }
.LBB2_1:
0x1d: {  	s12 =	simm.s32 @!p0 $0x1C0D;
	s13 =	rddreg [dreg:$0x1]  }
0x1e: {  	[spmem:s15], [sflag:s12] =	dma.local @!p0 [hbm:s13], $0x640  }
0x1f: {  	s12 =	simm.s32 @!p0 $0xD  }
0x20: {  	_ =	swait.ge @!p0 [sflag:s12], $0x640  }
0x21: {  	s14 =	simm.s32 $0x320;
	[sflag:s12] =	ssyncset.done @!p0 $0x0  }
0x22: {  	s13 =	simm.s32 $0x8000;
	[sflag:s12] =	ssyncadd.s32 @!p0 $0xFFFFF9C0;
	s12 =	simm.s32 $0x400  }
0x23: {  	[tilespmem:s14], [sflag:$0xD] =	stream.strided.gather [hbm4b:s20+s12], $0x1800, s13, s12, $0x38;
	[tilespmem:$0x19F20] =	vst v63  }
0x24: {  	_ = 	snop  }
0x25: {  	[tilespmem:s18], [sflag:$0xD] =	stream.linear.gather [hbm4b:s19+s4], $0x100, $0x38;
	[tilespmem:$0x19F20] =	vst v63  }
0x26: {  	_ =	swait.ge [sflag:s21], $0x1900  }
0x27: {  	[sflag:s21] =	ssyncset.done $0x0  }
0x28: {  	[sflag:s21] =	ssyncadd.s32 $0xFFFFE700  }
0x29: {  	[bflag:$0x0] =	sbarrier.arrive $0xFFFF  }
0x2a: {  	[tilespmem:s23], [sflag:$0x1] =	stream.indirect.gather [spmem:s3], $0x80, s14, s22, $0xb8;
	[tilespmem:$0x19F20] =	vst v63  }
0x2b: {  	s13 =	simm.s32 $0x3A0  }
0x2c: {  	[tilespmem:s25], [sflag:$0x2] =	stream.indirect.gather [spmem:s3], $0x80, s13, s22, $0xb8;
	[tilespmem:$0x19F20] =	vst v63  }
0x2d: {  	s14 =	simm.s32 $0x420  }
0x2e: {  	[tilespmem:s28], [sflag:$0x3] =	stream.indirect.gather [spmem:s3], $0x80, s14, s22, $0xb8;
	[tilespmem:$0x19F20] =	vst v63  }
0x2f: {  	s18 =	simm.s32 $0x4A0  }
0x30: {  	[tilespmem:s30], [sflag:$0x4] =	stream.indirect.gather [spmem:s3], $0x80, s18, s22, $0xb8;
	[tilespmem:$0x19F20] =	vst v63  }
0x31: {  	s13 =	simm.s32 $0x520  }
0x32: {  	[tilespmem:s0], [sflag:$0x5] =	stream.indirect.gather [spmem:s3], $0x80, s13, s22, $0xb8;
	[tilespmem:$0x19F20] =	vst v63  }
0x33: {  	s14 =	simm.s32 $0x5A0  }
0x34: {  	[tilespmem:s16], [sflag:$0x6] =	stream.indirect.gather [spmem:s3], $0x80, s14, s22, $0xb8;
	[tilespmem:$0x19F20] =	vst v63  }
0x35: {  	_ =	swait.ge [sflag:s17], $0x4000  }
0x36: {  	s18 =	rddreg [dreg:$0x9];
	[sflag:s17] =	ssyncset.done $0x0  }
0x37: {  	[sflag:s17] =	ssyncadd.s32 $0xFFFFC000;
	s12 =	sadd.s32 s2, s18  }
0x38: {  	[hbm4b:s12+s4] =	stream.linear.scatter [tilespmem:s23], [sflag:$0x7], $0x4000, $0x38;
	[tilespmem:$0x19F20] =	vst v63  }
0x39: {  	_ =	swait.ge [sflag:s24], $0x4000  }
0x3a: {  	[sflag:s24] =	ssyncset.done $0x0  }
0x3b: {  	s12 =	sadd.s32 $0x10000, s12;
	[sflag:s24] =	ssyncadd.s32 $0xFFFFC000  }
0x3c: {  	[hbm4b:s12+s4] =	stream.linear.scatter [tilespmem:s25], [sflag:$0x8], $0x4000, $0x38;
	[tilespmem:$0x19F20] =	vst v63  }
0x3d: {  	_ =	swait.ge [sflag:s26], $0x4000  }
0x3e: {  	s13 =	rddreg [dreg:$0x8];
	[sflag:s26] =	ssyncset.done $0x0  }
0x3f: {  	[sflag:s26] =	ssyncadd.s32 $0xFFFFC000;
	s12 =	sadd.s32 s2, s13  }
0x40: {  	[hbm4b:s12+s4] =	stream.linear.scatter [tilespmem:s28], [sflag:$0x9], $0x4000, $0x38;
	[tilespmem:$0x19F20] =	vst v63  }
0x41: {  	_ =	swait.ge [sflag:s29], $0x4000  }
0x42: {  	s14 =	rddreg [dreg:$0x7];
	[sflag:s29] =	ssyncset.done $0x0  }
0x43: {  	[sflag:s29] =	ssyncadd.s32 $0xFFFFC000;
	s12 =	sadd.s32 s2, s14  }
0x44: {  	[hbm4b:s12+s4] =	stream.linear.scatter [tilespmem:s30], [sflag:$0xA], $0x4000, $0x38;
	[tilespmem:$0x19F20] =	vst v63  }
0x45: {  	_ =	swait.ge [sflag:s31], $0x4000  }
0x46: {  	s18 =	rddreg [dreg:$0x6];
	[sflag:s31] =	ssyncset.done $0x0  }
0x47: {  	[sflag:s31] =	ssyncadd.s32 $0xFFFFC000;
	s12 =	sadd.s32 s2, s18  }
0x48: {  	[hbm4b:s12+s4] =	stream.linear.scatter [tilespmem:s0], [sflag:$0xB], $0x4000, $0x38;
	[tilespmem:$0x19F20] =	vst v63  }
0x49: {  	_ =	swait.ge [sflag:s1], $0x4000  }
0x4a: {  	s13 =	rddreg [dreg:$0x5];
	[sflag:s1] =	ssyncset.done $0x0  }
0x4b: {  	[sflag:s1] =	ssyncadd.s32 $0xFFFFC000;
	s12 =	sadd.s32 s2, s13  }
0x4c: {  	[hbm4b:s12+s4] =	stream.linear.scatter [tilespmem:s16], [sflag:$0xC], $0x4000, $0x38;
	[tilespmem:$0x19F20] =	vst v63  }
0x4d: {  	_ =	swait.ge [sflag:s6], $0x4000  }
0x4e: {  	[sflag:s6] =	ssyncset.done $0x0  }
0x4f: {  	s14 =	simm.s32 $0x620;
	[sflag:s6] =	ssyncadd.s32 $0xFFFFC000  }
0x50: {  	[tilespmem:s23], [sflag:$0x1] =	stream.indirect.gather [spmem:s3], $0x80, s14, s22, $0xb8;
	[tilespmem:$0x19F20] =	vst v63  }
0x51: {  	_ =	swait.ge [sflag:s7], $0x4000  }
0x52: {  	[sflag:s7] =	ssyncset.done $0x0  }
0x53: {  	s18 =	simm.s32 $0x6A0;
	[sflag:s7] =	ssyncadd.s32 $0xFFFFC000  }
0x54: {  	[tilespmem:s25], [sflag:$0x2] =	stream.indirect.gather [spmem:s3], $0x80, s18, s22, $0xb8;
	[tilespmem:$0x19F20] =	vst v63  }
0x55: {  	_ =	swait.ge [sflag:s8], $0x4000  }
0x56: {  	[sflag:s8] =	ssyncset.done $0x0  }
0x57: {  	s13 =	simm.s32 $0x720;
	[sflag:s8] =	ssyncadd.s32 $0xFFFFC000  }
0x58: {  	[tilespmem:s28], [sflag:$0x3] =	stream.indirect.gather [spmem:s3], $0x80, s13, s22, $0xb8;
	[tilespmem:$0x19F20] =	vst v63  }
0x59: {  	_ =	swait.ge [sflag:s9], $0x4000  }
0x5a: {  	[sflag:s9] =	ssyncset.done $0x0  }
0x5b: {  	s14 =	simm.s32 $0x7A0;
	[sflag:s9] =	ssyncadd.s32 $0xFFFFC000  }
0x5c: {  	[tilespmem:s30], [sflag:$0x4] =	stream.indirect.gather [spmem:s3], $0x80, s14, s22, $0xb8;
	[tilespmem:$0x19F20] =	vst v63  }
0x5d: {  	_ =	swait.ge [sflag:s10], $0x4000  }
0x5e: {  	[sflag:s10] =	ssyncset.done $0x0  }
0x5f: {  	s18 =	simm.s32 $0x820;
	[sflag:s10] =	ssyncadd.s32 $0xFFFFC000  }
0x60: {  	[tilespmem:s0], [sflag:$0x5] =	stream.indirect.gather [spmem:s3], $0x80, s18, s22, $0xb8;
	[tilespmem:$0x19F20] =	vst v63  }
0x61: {  	_ =	swait.ge [sflag:s5], $0x4000  }
0x62: {  	s12 =	simm.s32 $0xC00;
	[sflag:s5] =	ssyncset.done $0x0  }
0x63: {  	s13 =	sadd.s32 $0x60000, s2;
	s14 =	simm.s32 $0x8A0;
	[sflag:s5] =	ssyncadd.s32 $0xFFFFC000  }
.LBB2_2:
0x64: {  	[tilespmem:s16], [sflag:$0x6] =	stream.indirect.gather [spmem:s3], $0x80, s14, s22, $0xb8;
	[tilespmem:$0x19F20] =	vst v63  }
0x65: {  	_ =	swait.ge [sflag:s17], $0x4000  }
0x66: {  	s18 =	rddreg [dreg:$0x9];
	[sflag:s17] =	ssyncset.done $0x0  }
0x67: {  	[sflag:s17] =	ssyncadd.s32 $0xFFFFC000;
	s18 =	sadd.s32 s13, s18  }
0x68: {  	[hbm4b:s18+s4] =	stream.linear.scatter [tilespmem:s23], [sflag:$0x7], $0x4000, $0x38;
	[tilespmem:$0x19F20] =	vst v63  }
0x69: {  	_ =	swait.ge [sflag:s24], $0x4000  }
0x6a: {  	[sflag:s24] =	ssyncset.done $0x0  }
0x6b: {  	s18 =	sadd.s32 $0x10000, s18;
	[sflag:s24] =	ssyncadd.s32 $0xFFFFC000  }
0x6c: {  	[hbm4b:s18+s4] =	stream.linear.scatter [tilespmem:s25], [sflag:$0x8], $0x4000, $0x38;
	[tilespmem:$0x19F20] =	vst v63  }
0x6d: {  	_ =	swait.ge [sflag:s26], $0x4000  }
0x6e: {  	s18 =	rddreg [dreg:$0x8];
	[sflag:s26] =	ssyncset.done $0x0  }
0x6f: {  	[sflag:s26] =	ssyncadd.s32 $0xFFFFC000;
	s18 =	sadd.s32 s13, s18  }
0x70: {  	[hbm4b:s18+s4] =	stream.linear.scatter [tilespmem:s28], [sflag:$0x9], $0x4000, $0x38;
	[tilespmem:$0x19F20] =	vst v63  }
0x71: {  	_ =	swait.ge [sflag:s29], $0x4000  }
0x72: {  	s18 =	rddreg [dreg:$0x7];
	[sflag:s29] =	ssyncset.done $0x0  }
0x73: {  	[sflag:s29] =	ssyncadd.s32 $0xFFFFC000;
	s18 =	sadd.s32 s13, s18  }
0x74: {  	[hbm4b:s18+s4] =	stream.linear.scatter [tilespmem:s30], [sflag:$0xA], $0x4000, $0x38;
	[tilespmem:$0x19F20] =	vst v63  }
0x75: {  	_ =	swait.ge [sflag:s31], $0x4000  }
0x76: {  	s18 =	rddreg [dreg:$0x6];
	[sflag:s31] =	ssyncset.done $0x0  }
0x77: {  	[sflag:s31] =	ssyncadd.s32 $0xFFFFC000;
	s18 =	sadd.s32 s13, s18  }
0x78: {  	[hbm4b:s18+s4] =	stream.linear.scatter [tilespmem:s0], [sflag:$0xB], $0x4000, $0x38;
	[tilespmem:$0x19F20] =	vst v63  }
0x79: {  	_ =	swait.ge [sflag:s1], $0x4000  }
0x7a: {  	s18 =	rddreg [dreg:$0x5];
	[sflag:s1] =	ssyncset.done $0x0  }
0x7b: {  	[sflag:s1] =	ssyncadd.s32 $0xFFFFC000;
	s18 =	sadd.s32 s13, s18  }
0x7c: {  	[hbm4b:s18+s4] =	stream.linear.scatter [tilespmem:s16], [sflag:$0xC], $0x4000, $0x38;
	[tilespmem:$0x19F20] =	vst v63  }
0x7d: {  	s14 =	smov.u32 s12;
	_ =	swait.ge [sflag:s6], $0x4000  }
0x7e: {  	s14 =	sshra.s32 s14, $0x2;
	[sflag:s6] =	ssyncset.done $0x0  }
0x7f: {  	s18 =	sadd.s32 $0x620, s14;
	[sflag:s6] =	ssyncadd.s32 $0xFFFFC000  }
0x80: {  	[tilespmem:s23], [sflag:$0x1] =	stream.indirect.gather [spmem:s3], $0x80, s18, s22, $0xb8;
	[tilespmem:$0x19F20] =	vst v63  }
0x81: {  	_ =	swait.ge [sflag:s7], $0x4000  }
0x82: {  	[sflag:s7] =	ssyncset.done $0x0  }
0x83: {  	s18 =	sadd.s32 $0x6A0, s14;
	[sflag:s7] =	ssyncadd.s32 $0xFFFFC000  }
0x84: {  	[tilespmem:s25], [sflag:$0x2] =	stream.indirect.gather [spmem:s3], $0x80, s18, s22, $0xb8;
	[tilespmem:$0x19F20] =	vst v63  }
0x85: {  	_ =	swait.ge [sflag:s8], $0x4000  }
0x86: {  	[sflag:s8] =	ssyncset.done $0x0  }
0x87: {  	s18 =	sadd.s32 $0x720, s14;
	[sflag:s8] =	ssyncadd.s32 $0xFFFFC000  }
0x88: {  	[tilespmem:s28], [sflag:$0x3] =	stream.indirect.gather [spmem:s3], $0x80, s18, s22, $0xb8;
	[tilespmem:$0x19F20] =	vst v63  }
0x89: {  	_ =	swait.ge [sflag:s9], $0x4000  }
0x8a: {  	[sflag:s9] =	ssyncset.done $0x0  }
0x8b: {  	s18 =	sadd.s32 $0x7A0, s14;
	[sflag:s9] =	ssyncadd.s32 $0xFFFFC000  }
0x8c: {  	[tilespmem:s30], [sflag:$0x4] =	stream.indirect.gather [spmem:s3], $0x80, s18, s22, $0xb8;
	[tilespmem:$0x19F20] =	vst v63  }
0x8d: {  	_ =	swait.ge [sflag:s10], $0x4000  }
0x8e: {  	p1 =	sne.s32 s12, $0x4800;
	[sflag:s10] =	ssyncset.done $0x0  }
.Ltmp0:
0x8f: {  	s18 =	sadd.s32 $0x820, s14;
	[sflag:s10] =	ssyncadd.s32 $0xFFFFC000;
	(pc) =	sbr.rel @p1 .LBB2_2-.Ltmp0, $4  }
0x90: {  	[tilespmem:s0], [sflag:$0x5] =	stream.indirect.gather [spmem:s3], $0x80, s18, s22, $0xb8;
	[tilespmem:$0x19F20] =	vst v63  }
0x91: {  	_ =	swait.ge [sflag:s5], $0x4000  }
0x92: {  	s12 =	sadd.s32 $0xC00, s12;
	[sflag:s5] =	ssyncset.done $0x0  }
0x93: {  	s13 =	sadd.s32 $0x60000, s13;
	s14 =	sadd.s32 $0x8A0, s14;
	[sflag:s5] =	ssyncadd.s32 $0xFFFFC000  }
0x94: {  	[tilespmem:s16], [sflag:$0x6] =	stream.indirect.gather [spmem:s3], $0x80, s14, s22, $0xb8;
	[tilespmem:$0x19F20] =	vst v63  }
0x95: {  	_ =	swait.ge [sflag:s17], $0x4000  }
0x96: {  	[sflag:s17] =	ssyncset.done $0x0  }
0x97: {  	s12 =	rddreg [dreg:$0xa];
	[sflag:s17] =	ssyncadd.s32 $0xFFFFC000  }
0x98: {  	[hbm4b:s12+s4] =	stream.linear.scatter [tilespmem:s23], [sflag:$0x7], $0x4000, $0x38;
	[tilespmem:$0x19F20] =	vst v63  }
0x99: {  	_ =	swait.ge [sflag:s24], $0x4000  }
0x9a: {  	[sflag:s24] =	ssyncset.done $0x0  }
0x9b: {  	s14 =	rddreg [dreg:$0xb];
	[sflag:s24] =	ssyncadd.s32 $0xFFFFC000  }
0x9c: {  	[hbm4b:s14+s4] =	stream.linear.scatter [tilespmem:s25], [sflag:$0x8], $0x4000, $0x38;
	[tilespmem:$0x19F20] =	vst v63  }
0x9d: {  	_ =	swait.ge [sflag:s26], $0x4000  }
0x9e: {  	[sflag:s26] =	ssyncset.done $0x0  }
0x9f: {  	s18 =	rddreg [dreg:$0xc];
	[sflag:s26] =	ssyncadd.s32 $0xFFFFC000  }
0xa0: {  	[hbm4b:s18+s4] =	stream.linear.scatter [tilespmem:s28], [sflag:$0x9], $0x4000, $0x38;
	[tilespmem:$0x19F20] =	vst v63  }
0xa1: {  	_ =	swait.ge [sflag:s29], $0x4000  }
0xa2: {  	[sflag:s29] =	ssyncset.done $0x0  }
0xa3: {  	s13 =	rddreg [dreg:$0xd];
	[sflag:s29] =	ssyncadd.s32 $0xFFFFC000  }
0xa4: {  	[hbm4b:s13+s4] =	stream.linear.scatter [tilespmem:s30], [sflag:$0xA], $0x4000, $0x38;
	[tilespmem:$0x19F20] =	vst v63  }
0xa5: {  	_ =	swait.ge [sflag:s31], $0x4000  }
0xa6: {  	[sflag:s31] =	ssyncset.done $0x0  }
0xa7: {  	s14 =	rddreg [dreg:$0xe];
	[sflag:s31] =	ssyncadd.s32 $0xFFFFC000  }
0xa8: {  	[hbm4b:s14+s4] =	stream.linear.scatter [tilespmem:s0], [sflag:$0xB], $0x4000, $0x38;
	[tilespmem:$0x19F20] =	vst v63  }
0xa9: {  	_ =	swait.ge [sflag:s1], $0x4000  }
0xaa: {  	[sflag:s1] =	ssyncset.done $0x0  }
0xab: {  	s18 =	rddreg [dreg:$0xf];
	[sflag:s1] =	ssyncadd.s32 $0xFFFFC000  }
0xac: {  	[hbm4b:s18+s4] =	stream.linear.scatter [tilespmem:s16], [sflag:$0xC], $0x4000, $0x38;
	[tilespmem:$0x19F20] =	vst v63  }
0xad: {  	_ =	swait.ge [sflag:s6], $0x4000  }
0xae: {  	[sflag:s6] =	ssyncset.done $0x0  }
0xaf: {  	s18 =	simm.s32 $0x1B20;
	[sflag:s6] =	ssyncadd.s32 $0xFFFFC000  }
0xb0: {  	[tilespmem:s23], [sflag:$0x1] =	stream.indirect.gather [spmem:s3], $0x80, s18, s22, $0xb8;
	[tilespmem:$0x19F20] =	vst v63  }
0xb1: {  	_ =	swait.ge [sflag:s7], $0x4000  }
0xb2: {  	[sflag:s7] =	ssyncset.done $0x0  }
0xb3: {  	s13 =	simm.s32 $0x1BA0;
	[sflag:s7] =	ssyncadd.s32 $0xFFFFC000  }
0xb4: {  	[tilespmem:s25], [sflag:$0x2] =	stream.indirect.gather [spmem:s3], $0x80, s13, s22, $0xb8;
	[tilespmem:$0x19F20] =	vst v63  }
0xb5: {  	_ =	swait.ge [sflag:s17], $0x4000  }
0xb6: {  	[sflag:s17] =	ssyncset.done $0x0  }
0xb7: {  	s14 =	rddreg [dreg:$0x10];
	[sflag:s17] =	ssyncadd.s32 $0xFFFFC000  }
0xb8: {  	[hbm4b:s14+s4] =	stream.linear.scatter [tilespmem:s23], [sflag:$0x7], $0x4000, $0x38;
	[tilespmem:$0x19F20] =	vst v63  }
0xb9: {  	_ =	swait.ge [sflag:s24], $0x4000  }
0xba: {  	[sflag:s24] =	ssyncset.done $0x0  }
0xbb: {  	s13 =	rddreg [dreg:$0x11];
	[sflag:s24] =	ssyncadd.s32 $0xFFFFC000  }
0xbc: {  	[hbm4b:s13+s4] =	stream.linear.scatter [tilespmem:s25], [sflag:$0x8], $0x4000, $0x38;
	[tilespmem:$0x19F20] =	vst v63  }
0xbd: {  	_ =	swait.ge [sflag:s6], $0x4000  }
0xbe: {  	[sflag:s6] =	ssyncset.done $0x0  }
0xbf: {  	[sflag:s6] =	ssyncadd.s32 $0xFFFFC000  }
0xc0: {  	_ =	swait.ge [sflag:s7], $0x4000  }
0xc1: {  	[sflag:s7] =	ssyncset.done $0x0  }
0xc2: {  	[sflag:s7] =	ssyncadd.s32 $0xFFFFC000  }
0xc3: {  	_ =	swait.ge [sflag:s8], $0x4000  }
0xc4: {  	[sflag:s8] =	ssyncset.done $0x0  }
0xc5: {  	[sflag:s8] =	ssyncadd.s32 $0xFFFFC000  }
0xc6: {  	_ =	swait.ge [sflag:s9], $0x4000  }
0xc7: {  	[sflag:s9] =	ssyncset.done $0x0  }
0xc8: {  	[sflag:s9] =	ssyncadd.s32 $0xFFFFC000  }
0xc9: {  	_ =	swait.ge [sflag:s10], $0x4000  }
0xca: {  	[sflag:s10] =	ssyncset.done $0x0  }
0xcb: {  	[sflag:s10] =	ssyncadd.s32 $0xFFFFC000  }
0xcc: {  	_ =	swait.ge [sflag:s5], $0x4000  }
0xcd: {  	s11 =	sadd.s32 $0x1, s11;
	s14 =	rddreg [dreg:$0x12]  }
0xce: {  	p1 =	sne.s32 s11, s14  }
.Ltmp1:
0xcf: {  	_ = 	snop;
	(pc) =	sbr.rel @p1 .LBB2_1-.Ltmp1, $3  }
0xd0: {  	_ =	sdelay $0x1  }
0xd1: {  	[sflag:s5] =	ssyncset.done $0x0  }
0xd2: {  	[sflag:s5] =	ssyncadd.s32 $0xFFFFC000  }
0xd3: {  	_ =	sfence.sel $0x180000  }
0xd4: {  	[bflag:$0x0] =	sbarrier.arrive $0xFFFF  }
0xd5: {  	_ =	strace $0x90000047  }
0xd6: {  	[bflag:$0x2] =	sbarrier.arrive $0xFFFF  }
0xd7: {  	s0 =	rddreg [dreg:$0x4]  }
0xd8: {  	s0 =	sadd.s32 @!p0 $0x100000, s0  }
0xd9: {  	[sflag:s0] =	ssyncadd.tile.s32 @!p0 $0x1;
	_ =	shalt  }
.Lfunc_end2:
_tile_overlayer_lowered:
.L_overlay_start_2:
0xda: {  	(tag) =	ssettag $0x2  }
0xdb: {  	s0 =	rddreg [dreg:$0x0];
	s2 =	stileid.u32  }
0xdc: {  	s1 =	rddreg [dreg:$0x1];
	p0 =	sne.s32 s2, $0x0  }
0xdd: {  	s3 =	rddreg [dreg:$0x2];
	[bflag:$0x3] =	sbarrier.arrive $0xFFFF;
	s2 =	simm.s32 @!p0 $0x1C0D  }
0xde: {  	[timem:s3], [sflag:s2] =	dma.local @!p0 [hbm:s0], s1  }
0xdf: {  	s0 =	simm.s32 @!p0 $0xD  }
0xe0: {  	_ =	swait.ge @!p0 [sflag:s0], s1  }
0xe1: {  	s1 =	ssub.s32 @!p0 $0x0, s1;
	[sflag:s0] =	ssyncset.done @!p0 $0x0  }
0xe2: {  	[sflag:s0] =	ssyncadd.s32 @!p0 s1  }
0xe3: {  	[bflag:$0x3] =	sbarrier.arrive $0xFFFF  }
0xe4: {  	_ =	shalt  }

</sc_bundles>
